<compile_context>
chip_gen: v7x
topology: tpu7x:2x2x1
jax: 0.10.2.dev20260603
libtpu: 0.0.44.dev20260713+nightly
codegen_flags: <defaults>
</compile_context>

<pallas_src>
import functools

import jax
import jax.numpy as jnp
from jax import lax
from jax.experimental import pallas as pl
from jax.experimental.pallas import tpu as pltpu
from jax.experimental.pallas import tpu_sc as plsc

N_NOTES = 32768
D_FEAT = 64
N_BEATS = 1024
QPM_PRIMO_IDX = 4
TEMPO_IDX = 26

L = 16
NC = 2
NS = 16
NW = NC * NS
W = 128

NOTES_PER_TILE = N_NOTES // NS
SCAN_STEPS = NOTES_PER_TILE // L
BEATS_PER_TILE = N_BEATS // NW
GROUP = 128
SENTINEL = N_NOTES - 1


def _body(bn_hbm, feed_hbm, out_hbm,
          bnv, xv, prevbuf, headv, scalv, lidx, lval, sidx, sval, outv,
          shared_idx, shared_val, sem):
    c = lax.axis_index("c")
    s = lax.axis_index("s")
    wid = c * NS + s
    base = s * NOTES_PER_TILE
    iota = lax.iota(jnp.int32, L)
    zeros = jnp.zeros((L,), jnp.int32)

    d1 = pltpu.async_copy(bn_hbm.at[pl.ds(base, NOTES_PER_TILE)], bnv, sem)
    d2 = pltpu.async_copy(feed_hbm.at[pl.ds(base, NOTES_PER_TILE)], xv, sem)
    d3 = pltpu.async_copy(bn_hbm.at[pl.ds(0, W)], headv, sem)
    d4 = pltpu.async_copy(feed_hbm.at[pl.ds(N_NOTES, W)], scalv, sem)

    @pl.when(s == 0)
    def _():
        for i in range(W // L):
            prevbuf[pl.ds(i * L, L)] = jnp.full((L,), -1, jnp.int32)

    @pl.when(s > 0)
    def _():
        pltpu.async_copy(bn_hbm.at[pl.ds(base - W, W)], prevbuf, sem).wait()

    @plsc.parallel_loop(0, N_BEATS // L, unroll=4)
    def _(i):
        lidx[pl.ds(i * L, L)] = jnp.full((L,), SENTINEL, jnp.int32)

    d1.wait()
    d2.wait()
    d3.wait()
    d4.wait()

    bn0 = plsc.load_gather(headv, [zeros])

    @pl.when(s == NS - 1)
    def _():
        fill = plsc.load_gather(xv, [jnp.full((L,), NOTES_PER_TILE - 1,
                                              jnp.int32)])

        @plsc.parallel_loop(0, N_BEATS // L, unroll=4)
        def _(i):
            lval[pl.ds(i * L, L)] = fill

    cur = bnv[pl.ds(0, L)]
    prev = plsc.load_gather(bnv, [jnp.maximum(iota - 1, 0)])
    first_note = plsc.load_gather(bnv, [zeros])
    pred_note = plsc.load_gather(prevbuf, [jnp.full((L,), W - 1, jnp.int32)])
    lead_boundary = (first_note != pred_note) | (s == 0)
    boundary = (cur != prev) | ((iota == 0) & lead_boundary)
    rel = cur - bn0
    plsc.store_scatter(lidx, [rel], base + iota, mask=boundary)
    plsc.store_scatter(lval, [rel], xv[pl.ds(0, L)], mask=boundary)

    @plsc.parallel_loop(1, SCAN_STEPS, unroll=8)
    def _(k):
        kcur = bnv[pl.ds(k * L, L)]
        kprev = bnv[pl.ds(k * L - 1, L)]
        kb = kcur != kprev
        krel = kcur - bn0
        plsc.store_scatter(lidx, [krel], base + k * L + iota, mask=kb)
        plsc.store_scatter(lval, [krel], xv[pl.ds(k * L, L)], mask=kb)

    p1 = pltpu.async_copy(lidx, shared_idx.at[pl.ds(s * N_BEATS, N_BEATS)],
                          sem)
    p2 = pltpu.async_copy(lval, shared_val.at[pl.ds(s * N_BEATS, N_BEATS)],
                          sem)
    p1.wait()
    p2.wait()
    plsc.subcore_barrier()

    gb = (wid // (GROUP // BEATS_PER_TILE)) * GROUP
    off = (wid % (GROUP // BEATS_PER_TILE)) * BEATS_PER_TILE
    drains = []
    for t in range(NS):
        drains.append(pltpu.async_copy(
            shared_idx.at[pl.ds(t * N_BEATS + gb, GROUP)],
            sidx.at[pl.ds(t * GROUP, GROUP)], sem))
        drains.append(pltpu.async_copy(
            shared_val.at[pl.ds(t * N_BEATS + gb, GROUP)],
            sval.at[pl.ds(t * GROUP, GROUP)], sem))
    for d in drains:
        d.wait()

    qpm = plsc.load_gather(scalv, [jnp.full((L,), QPM_PRIMO_IDX, jnp.int32)])
    tp0 = plsc.load_gather(scalv, [jnp.full((L,), D_FEAT - 2, jnp.int32)])
    tp1 = plsc.load_gather(scalv, [jnp.full((L,), D_FEAT - 1, jnp.int32)])
    ch = iota % 4
    pattern = jnp.where(ch == 0, qpm, jnp.where(ch == 1, tp0, tp1))
    for m_i in range(BEATS_PER_TILE * 4 // L):
        outv[pl.ds(m_i * L, L)] = pattern

    for j in range(BEATS_PER_TILE // L):
        m = sidx[pl.ds(off + j * L, L)]
        v = sval[pl.ds(off + j * L, L)]
        for t in range(1, NS):
            ti = sidx[pl.ds(t * GROUP + off + j * L, L)]
            tv = sval[pl.ds(t * GROUP + off + j * L, L)]
            take = ti <= m
            v = jnp.where(take, tv, v)
            m = jnp.minimum(ti, m)
        plsc.store_scatter(outv, [iota * 4 + (j * L * 4 + 3)], v)

    pltpu.sync_copy(outv, out_hbm.at[pl.ds(wid * BEATS_PER_TILE * 4,
                                           BEATS_PER_TILE * 4)])


@functools.partial(
    pl.kernel,
    mesh=plsc.VectorSubcoreMesh(core_axis_name="c", subcore_axis_name="s"),
    compiler_params=pltpu.CompilerParams(needs_layout_passes=False,
                                         use_tc_tiling_on_sc=False),
    out_type=jax.ShapeDtypeStruct((N_BEATS * 4,), jnp.float32),
    scratch_types=[
        pltpu.VMEM((NOTES_PER_TILE,), jnp.int32),
        pltpu.VMEM((NOTES_PER_TILE,), jnp.float32),
        pltpu.VMEM((W,), jnp.int32),
        pltpu.VMEM((W,), jnp.int32),
        pltpu.VMEM((W,), jnp.float32),
        pltpu.VMEM((N_BEATS,), jnp.int32),
        pltpu.VMEM((N_BEATS,), jnp.float32),
        pltpu.VMEM((NS * GROUP,), jnp.int32),
        pltpu.VMEM((NS * GROUP,), jnp.float32),
        pltpu.VMEM((BEATS_PER_TILE * 4,), jnp.float32),
        pltpu.VMEM_SHARED((NS * N_BEATS,), jnp.int32),
        pltpu.VMEM_SHARED((NS * N_BEATS,), jnp.float32),
        pltpu.SemaphoreType.DMA,
    ],
)
def _tempo_vec_selector(bn_hbm, feed_hbm, out_hbm, *scratch):
    _body(bn_hbm, feed_hbm, out_hbm, *scratch)


def kernel(x, beat_numbers):
    bn = beat_numbers.astype(jnp.int32)
    feed = jnp.concatenate([x[0, :, TEMPO_IDX], x[0, 0, :], x[0, 0, :]])
    out = _tempo_vec_selector(bn, feed)
    return out.reshape(1, N_BEATS, 4)

# --- scband reference (transcript-rebuilt; emitter-appended) ---
"""Pipeline reference for scband-tempo-vec-selector-52716428591260 (READ-ONLY COPY).

The authoritative reference and input builder live on the scoring server;
editing this copy changes nothing except your own understanding.
"""

import jax, jax.numpy as jnp
import numpy as np

# Constants from virtuosoNet feature layout
QPM_PRIMO_IDX = 4
TEMPO_PRIMO_IDX = -2
TEMPO_IDX = 26

N_NOTES = 32768
D_FEAT = 64
N_BEATS_MAX = 1024


def setup_inputs(seed: int = 0) -> dict:
    key = jax.random.key(seed)
    k1, k2 = jax.random.split(key)
    x = jax.random.normal(k1, (1, N_NOTES, D_FEAT), dtype=jnp.float32)
    # sorted beat indices per note; dense coverage so beat range is contiguous
    beat_numbers = jnp.sort(jax.random.randint(k2, (N_NOTES,), 0, N_BEATS_MAX))
    return {"x": x, "beat_numbers": beat_numbers}


def reference(x, beat_numbers):
    num_beats = N_BEATS_MAX
    N = x.shape[1]
    qpm_primo = x[:, :, QPM_PRIMO_IDX].reshape(1, -1, 1)
    tempo_primo = x[:, :, TEMPO_PRIMO_IDX:].reshape(1, -1, 2)
    beat_qpm_primo = jnp.tile(qpm_primo[0, 0, 0].reshape(1, 1, 1), (1, num_beats, 1))
    beat_tempo_primo = jnp.tile(tempo_primo[0, 0, :].reshape(1, 1, 2), (1, num_beats, 1))
    # note_tempo_infos_to_beat: pick TEMPO_IDX feature of the FIRST note of each beat.
    rel = (beat_numbers - beat_numbers[0]).astype(jnp.int32)
    note_ids = jnp.arange(N, dtype=jnp.int32)
    first_idx = jax.ops.segment_min(note_ids, rel, num_segments=num_beats)
    first_idx = jnp.clip(first_idx, 0, N - 1)  # guard against (rare) empty beats
    beat_tempo_vector = x[0, first_idx, TEMPO_IDX].reshape(1, num_beats, 1)
    return jnp.concatenate((beat_qpm_primo, beat_tempo_primo, beat_tempo_vector), axis=-1)

if __name__ == "__main__":
    import jax
    _d = setup_inputs()
    print(jax.jit(kernel)(*tuple(_d.values())))

</pallas_src>

<mosaic_0001>
#map = affine_map<(d0, d1) -> (0)>
module attributes {stable_mosaic.version = 14 : i64} {
  func.func @_tempo_vec_selector(%arg0: i32, %arg1: i32, %arg2: memref<32768xi32, #tpu.memory_space<hbm>>, %arg3: memref<32896xf32, #tpu.memory_space<hbm>>, %arg4: memref<4096xf32, #tpu.memory_space<hbm>>, %arg5: memref<2048xi32, #tpu.memory_space<vmem>>, %arg6: memref<2048xf32, #tpu.memory_space<vmem>>, %arg7: memref<128xi32, #tpu.memory_space<vmem>>, %arg8: memref<128xi32, #tpu.memory_space<vmem>>, %arg9: memref<128xf32, #tpu.memory_space<vmem>>, %arg10: memref<1024xi32, #tpu.memory_space<vmem>>, %arg11: memref<1024xf32, #tpu.memory_space<vmem>>, %arg12: memref<2048xi32, #tpu.memory_space<vmem>>, %arg13: memref<2048xf32, #tpu.memory_space<vmem>>, %arg14: memref<128xf32, #tpu.memory_space<vmem>>, %arg15: memref<16384xi32, #tpu.memory_space<vmem_shared>>, %arg16: memref<16384xf32, #tpu.memory_space<vmem_shared>>, %arg17: memref<!tpu.dma_semaphore, #tpu.memory_space<semaphore_mem>>) attributes {dimension_semantics = [#tpu.dimension_semantics<core_parallel>, #tpu.dimension_semantics<subcore_parallel>], iteration_bounds = array<i64: 2, 16>, scalar_prefetch = 0 : i64, scratch_operands = 13 : i64, tpu.core_type = #tpu.core_type<sc_vector_subcore>, window_params = [{transform_indices = #map}, {transform_indices = #map}, {transform_indices = #map}]} {
    %mul3A = arith.constant 16 : i32
    %mul3A_0 = arith.muli %arg0, %mul3A : i32
    %add3A = arith.addi %mul3A_0, %arg1 : i32
    %mul3A_1 = arith.constant 2048 : i32
    %mul3A_2 = arith.muli %arg1, %mul3A_1 : i32
    %iota3A = tpu.iota {dimensions = array<i32: 0>} : vector<16xi32>
    %broadcast_in_dim3A = arith.constant 0 : i32
    %broadcast_in_dim3A_3 = vector.broadcast %broadcast_in_dim3A : i32 to vector<16xi32>
    %dma_start3A = tpu.memref_slice %arg2[%mul3A_2] : memref<32768xi32, #tpu.memory_space<hbm>> -> memref<2048xi32, #tpu.memory_space<hbm>>
    %dma_start3A_4 = tpu.memref_slice %arg2[%mul3A_2] : memref<32768xi32, #tpu.memory_space<hbm>> -> memref<2048xi32, #tpu.memory_space<hbm>>
    tpu.enqueue_dma source(%dma_start3A_4 : memref<2048xi32, #tpu.memory_space<hbm>>) target(%arg5 : memref<2048xi32, #tpu.memory_space<vmem>>) target_semaphore(%arg17 : memref<!tpu.dma_semaphore, #tpu.memory_space<semaphore_mem>>)
    %dma_start3A_5 = tpu.memref_slice %arg3[%mul3A_2] : memref<32896xf32, #tpu.memory_space<hbm>> -> memref<2048xf32, #tpu.memory_space<hbm>>
    %dma_start3A_6 = tpu.memref_slice %arg3[%mul3A_2] : memref<32896xf32, #tpu.memory_space<hbm>> -> memref<2048xf32, #tpu.memory_space<hbm>>
    tpu.enqueue_dma source(%dma_start3A_6 : memref<2048xf32, #tpu.memory_space<hbm>>) target(%arg6 : memref<2048xf32, #tpu.memory_space<vmem>>) target_semaphore(%arg17 : memref<!tpu.dma_semaphore, #tpu.memory_space<semaphore_mem>>)
    %dma_start3A_7 = arith.constant 0 : i32
    %dma_start3A_8 = tpu.memref_slice %arg2[%dma_start3A_7] : memref<32768xi32, #tpu.memory_space<hbm>> -> memref<128xi32, #tpu.memory_space<hbm>>
    %dma_start3A_9 = arith.constant 0 : i32
    %dma_start3A_10 = tpu.memref_slice %arg2[%dma_start3A_9] : memref<32768xi32, #tpu.memory_space<hbm>> -> memref<128xi32, #tpu.memory_space<hbm>>
    tpu.enqueue_dma source(%dma_start3A_10 : memref<128xi32, #tpu.memory_space<hbm>>) target(%arg8 : memref<128xi32, #tpu.memory_space<vmem>>) target_semaphore(%arg17 : memref<!tpu.dma_semaphore, #tpu.memory_space<semaphore_mem>>)
    %dma_start3A_11 = arith.constant 32768 : i32
    %dma_start3A_12 = tpu.memref_slice %arg3[%dma_start3A_11] : memref<32896xf32, #tpu.memory_space<hbm>> -> memref<128xf32, #tpu.memory_space<hbm>>
    %dma_start3A_13 = arith.constant 32768 : i32
    %dma_start3A_14 = tpu.memref_slice %arg3[%dma_start3A_13] : memref<32896xf32, #tpu.memory_space<hbm>> -> memref<128xf32, #tpu.memory_space<hbm>>
    tpu.enqueue_dma source(%dma_start3A_14 : memref<128xf32, #tpu.memory_space<hbm>>) target(%arg9 : memref<128xf32, #tpu.memory_space<vmem>>) target_semaphore(%arg17 : memref<!tpu.dma_semaphore, #tpu.memory_space<semaphore_mem>>)
    %eq3A = arith.constant 0 : i32
    %eq3A_15 = arith.cmpi eq, %arg1, %eq3A : i32
    %convert_element_type3A = arith.extui %eq3A_15 : i1 to i32
    %cond3A = arith.constant 0 : i32
    %cond3A_16 = arith.cmpi ne, %convert_element_type3A, %cond3A : i32
    scf.if %cond3A_16 {
      %broadcast_in_dim3A_1097 = arith.constant -1 : i32
      %broadcast_in_dim3A_1098 = vector.broadcast %broadcast_in_dim3A_1097 : i32 to vector<16xi32>
      %swap3A_1099 = arith.constant 0 : index
      %swap3A_1100 = tpu.vector_load %arg7[%swap3A_1099] {strides = array<i32>} : memref<128xi32, #tpu.memory_space<vmem>>, vector<16xi32>,
      tpu.vector_store %arg7[%swap3A_1099], %broadcast_in_dim3A_1098 {strides = array<i32>} : memref<128xi32, #tpu.memory_space<vmem>>, vector<16xi32>,
      %broadcast_in_dim3A_1101 = arith.constant -1 : i32
      %broadcast_in_dim3A_1102 = vector.broadcast %broadcast_in_dim3A_1101 : i32 to vector<16xi32>
      %swap3A_1103 = arith.constant 16 : index
      %swap3A_1104 = tpu.vector_load %arg7[%swap3A_1103] {strides = array<i32>} : memref<128xi32, #tpu.memory_space<vmem>>, vector<16xi32>,
      tpu.vector_store %arg7[%swap3A_1103], %broadcast_in_dim3A_1102 {strides = array<i32>} : memref<128xi32, #tpu.memory_space<vmem>>, vector<16xi32>,
      %broadcast_in_dim3A_1105 = arith.constant -1 : i32
      %broadcast_in_dim3A_1106 = vector.broadcast %broadcast_in_dim3A_1105 : i32 to vector<16xi32>
      %swap3A_1107 = arith.constant 32 : index
      %swap3A_1108 = tpu.vector_load %arg7[%swap3A_1107] {strides = array<i32>} : memref<128xi32, #tpu.memory_space<vmem>>, vector<16xi32>,
      tpu.vector_store %arg7[%swap3A_1107], %broadcast_in_dim3A_1106 {strides = array<i32>} : memref<128xi32, #tpu.memory_space<vmem>>, vector<16xi32>,
      %broadcast_in_dim3A_1109 = arith.constant -1 : i32
      %broadcast_in_dim3A_1110 = vector.broadcast %broadcast_in_dim3A_1109 : i32 to vector<16xi32>
      %swap3A_1111 = arith.constant 48 : index
      %swap3A_1112 = tpu.vector_load %arg7[%swap3A_1111] {strides = array<i32>} : memref<128xi32, #tpu.memory_space<vmem>>, vector<16xi32>,
      tpu.vector_store %arg7[%swap3A_1111], %broadcast_in_dim3A_1110 {strides = array<i32>} : memref<128xi32, #tpu.memory_space<vmem>>, vector<16xi32>,
      %broadcast_in_dim3A_1113 = arith.constant -1 : i32
      %broadcast_in_dim3A_1114 = vector.broadcast %broadcast_in_dim3A_1113 : i32 to vector<16xi32>
      %swap3A_1115 = arith.constant 64 : index
      %swap3A_1116 = tpu.vector_load %arg7[%swap3A_1115] {strides = array<i32>} : memref<128xi32, #tpu.memory_space<vmem>>, vector<16xi32>,
      tpu.vector_store %arg7[%swap3A_1115], %broadcast_in_dim3A_1114 {strides = array<i32>} : memref<128xi32, #tpu.memory_space<vmem>>, vector<16xi32>,
      %broadcast_in_dim3A_1117 = arith.constant -1 : i32
      %broadcast_in_dim3A_1118 = vector.broadcast %broadcast_in_dim3A_1117 : i32 to vector<16xi32>
      %swap3A_1119 = arith.constant 80 : index
      %swap3A_1120 = tpu.vector_load %arg7[%swap3A_1119] {strides = array<i32>} : memref<128xi32, #tpu.memory_space<vmem>>, vector<16xi32>,
      tpu.vector_store %arg7[%swap3A_1119], %broadcast_in_dim3A_1118 {strides = array<i32>} : memref<128xi32, #tpu.memory_space<vmem>>, vector<16xi32>,
      %broadcast_in_dim3A_1121 = arith.constant -1 : i32
      %broadcast_in_dim3A_1122 = vector.broadcast %broadcast_in_dim3A_1121 : i32 to vector<16xi32>
      %swap3A_1123 = arith.constant 96 : index
      %swap3A_1124 = tpu.vector_load %arg7[%swap3A_1123] {strides = array<i32>} : memref<128xi32, #tpu.memory_space<vmem>>, vector<16xi32>,
      tpu.vector_store %arg7[%swap3A_1123], %broadcast_in_dim3A_1122 {strides = array<i32>} : memref<128xi32, #tpu.memory_space<vmem>>, vector<16xi32>,
      %broadcast_in_dim3A_1125 = arith.constant -1 : i32
      %broadcast_in_dim3A_1126 = vector.broadcast %broadcast_in_dim3A_1125 : i32 to vector<16xi32>
      %swap3A_1127 = arith.constant 112 : index
      %swap3A_1128 = tpu.vector_load %arg7[%swap3A_1127] {strides = array<i32>} : memref<128xi32, #tpu.memory_space<vmem>>, vector<16xi32>,
      tpu.vector_store %arg7[%swap3A_1127], %broadcast_in_dim3A_1126 {strides = array<i32>} : memref<128xi32, #tpu.memory_space<vmem>>, vector<16xi32>,
    } else {
    }
    %gt3A = arith.constant 0 : i32
    %gt3A_17 = arith.cmpi sgt, %arg1, %gt3A : i32
    %convert_element_type3A_18 = arith.extui %gt3A_17 : i1 to i32
    %cond3A_19 = arith.constant 0 : i32
    %cond3A_20 = arith.cmpi ne, %convert_element_type3A_18, %cond3A_19 : i32
    scf.if %cond3A_20 {
      %sub3A_1097 = arith.constant 128 : i32
      %sub3A_1098 = arith.subi %mul3A_2, %sub3A_1097 : i32
      %dma_start3A_1099 = tpu.memref_slice %arg2[%sub3A_1098] : memref<32768xi32, #tpu.memory_space<hbm>> -> memref<128xi32, #tpu.memory_space<hbm>>
      %dma_start3A_1100 = tpu.memref_slice %arg2[%sub3A_1098] : memref<32768xi32, #tpu.memory_space<hbm>> -> memref<128xi32, #tpu.memory_space<hbm>>
      tpu.enqueue_dma source(%dma_start3A_1100 : memref<128xi32, #tpu.memory_space<hbm>>) target(%arg7 : memref<128xi32, #tpu.memory_space<vmem>>) target_semaphore(%arg17 : memref<!tpu.dma_semaphore, #tpu.memory_space<semaphore_mem>>)
      %dma_wait3A_1101 = tpu.memref_slice %arg2[%sub3A_1098] : memref<32768xi32, #tpu.memory_space<hbm>> -> memref<128xi32, #tpu.memory_space<hbm>>
      %dma_wait3A_1102 = tpu.memref_slice %arg2[%sub3A_1098] : memref<32768xi32, #tpu.memory_space<hbm>> -> memref<128xi32, #tpu.memory_space<hbm>>
      tpu.wait_dma2 semaphore(%arg17 : memref<!tpu.dma_semaphore, #tpu.memory_space<semaphore_mem>>) src(%dma_wait3A_1102 : memref<128xi32, #tpu.memory_space<hbm>>) dst(%arg7 : memref<128xi32, #tpu.memory_space<vmem>>)
    } else {
    }
    %parallel_loop3A = arith.constant 0 : i32
    %parallel_loop3A_21 = arith.constant 64 : i32
    %parallel_loop3A_22 = arith.constant 1 : i32
    scf.for %parallel_loop3A_1097 = %parallel_loop3A to %parallel_loop3A_21 step %parallel_loop3A_22  : i32 {
      %parallel_loop3A_1098 = arith.constant 32767 : i32
      %parallel_loop3A_1099 = vector.broadcast %parallel_loop3A_1098 : i32 to vector<16xi32>
      %parallel_loop3A_1100 = arith.constant 16 : i32
      %parallel_loop3A_1101 = arith.muli %parallel_loop3A_1097, %parallel_loop3A_1100 : i32
      %parallel_loop3A_1102 = arith.index_cast %parallel_loop3A_1101 : i32 to index
      %parallel_loop3A_1103 = tpu.vector_load %arg10[%parallel_loop3A_1102] {strides = array<i32>} : memref<1024xi32, #tpu.memory_space<vmem>>, vector<16xi32>,
      tpu.vector_store %arg10[%parallel_loop3A_1102], %parallel_loop3A_1099 {strides = array<i32>} : memref<1024xi32, #tpu.memory_space<vmem>>, vector<16xi32>,
    } {sc.loop_unroll_factor = 4 : i64, sc.parallel_access}
    %dma_wait3A = tpu.memref_slice %arg2[%mul3A_2] : memref<32768xi32, #tpu.memory_space<hbm>> -> memref<2048xi32, #tpu.memory_space<hbm>>
    %dma_wait3A_23 = tpu.memref_slice %arg2[%mul3A_2] : memref<32768xi32, #tpu.memory_space<hbm>> -> memref<2048xi32, #tpu.memory_space<hbm>>
    tpu.wait_dma2 semaphore(%arg17 : memref<!tpu.dma_semaphore, #tpu.memory_space<semaphore_mem>>) src(%dma_wait3A_23 : memref<2048xi32, #tpu.memory_space<hbm>>) dst(%arg5 : memref<2048xi32, #tpu.memory_space<vmem>>)
    %dma_wait3A_24 = tpu.memref_slice %arg3[%mul3A_2] : memref<32896xf32, #tpu.memory_space<hbm>> -> memref<2048xf32, #tpu.memory_space<hbm>>
    %dma_wait3A_25 = tpu.memref_slice %arg3[%mul3A_2] : memref<32896xf32, #tpu.memory_space<hbm>> -> memref<2048xf32, #tpu.memory_space<hbm>>
    tpu.wait_dma2 semaphore(%arg17 : memref<!tpu.dma_semaphore, #tpu.memory_space<semaphore_mem>>) src(%dma_wait3A_25 : memref<2048xf32, #tpu.memory_space<hbm>>) dst(%arg6 : memref<2048xf32, #tpu.memory_space<vmem>>)
    %dma_wait3A_26 = arith.constant 0 : i32
    %dma_wait3A_27 = tpu.memref_slice %arg2[%dma_wait3A_26] : memref<32768xi32, #tpu.memory_space<hbm>> -> memref<128xi32, #tpu.memory_space<hbm>>
    %dma_wait3A_28 = arith.constant 0 : i32
    %dma_wait3A_29 = tpu.memref_slice %arg2[%dma_wait3A_28] : memref<32768xi32, #tpu.memory_space<hbm>> -> memref<128xi32, #tpu.memory_space<hbm>>
    tpu.wait_dma2 semaphore(%arg17 : memref<!tpu.dma_semaphore, #tpu.memory_space<semaphore_mem>>) src(%dma_wait3A_29 : memref<128xi32, #tpu.memory_space<hbm>>) dst(%arg8 : memref<128xi32, #tpu.memory_space<vmem>>)
    %dma_wait3A_30 = arith.constant 32768 : i32
    %dma_wait3A_31 = tpu.memref_slice %arg3[%dma_wait3A_30] : memref<32896xf32, #tpu.memory_space<hbm>> -> memref<128xf32, #tpu.memory_space<hbm>>
    %dma_wait3A_32 = arith.constant 32768 : i32
    %dma_wait3A_33 = tpu.memref_slice %arg3[%dma_wait3A_32] : memref<32896xf32, #tpu.memory_space<hbm>> -> memref<128xf32, #tpu.memory_space<hbm>>
    tpu.wait_dma2 semaphore(%arg17 : memref<!tpu.dma_semaphore, #tpu.memory_space<semaphore_mem>>) src(%dma_wait3A_33 : memref<128xf32, #tpu.memory_space<hbm>>) dst(%arg9 : memref<128xf32, #tpu.memory_space<vmem>>)
    %gather3A = tpu.vector_load_idx %arg8[%broadcast_in_dim3A_3] : memref<128xi32, #tpu.memory_space<vmem>>[vector<16xi32>], vector<16xi32>,
    %eq3A_34 = arith.constant 15 : i32
    %eq3A_35 = arith.cmpi eq, %arg1, %eq3A_34 : i32
    %convert_element_type3A_36 = arith.extui %eq3A_35 : i1 to i32
    %cond3A_37 = arith.constant 0 : i32
    %cond3A_38 = arith.cmpi ne, %convert_element_type3A_36, %cond3A_37 : i32
    scf.if %cond3A_38 {
      %broadcast_in_dim3A_1097 = arith.constant 2047 : i32
      %broadcast_in_dim3A_1098 = vector.broadcast %broadcast_in_dim3A_1097 : i32 to vector<16xi32>
      %gather3A_1099 = tpu.vector_load_idx %arg6[%broadcast_in_dim3A_1098] : memref<2048xf32, #tpu.memory_space<vmem>>[vector<16xi32>], vector<16xf32>,
      %parallel_loop3A_1100 = arith.constant 0 : i32
      %parallel_loop3A_1101 = arith.constant 64 : i32
      %parallel_loop3A_1102 = arith.constant 1 : i32
      scf.for %parallel_loop3A_1103 = %parallel_loop3A_1100 to %parallel_loop3A_1101 step %parallel_loop3A_1102  : i32 {
        %parallel_loop3A_1104 = arith.constant 16 : i32
        %parallel_loop3A_1105 = arith.muli %parallel_loop3A_1103, %parallel_loop3A_1104 : i32
        %parallel_loop3A_1106 = arith.index_cast %parallel_loop3A_1105 : i32 to index
        %parallel_loop3A_1107 = tpu.vector_load %arg11[%parallel_loop3A_1106] {strides = array<i32>} : memref<1024xf32, #tpu.memory_space<vmem>>, vector<16xf32>,
        tpu.vector_store %arg11[%parallel_loop3A_1106], %gather3A_1099 {strides = array<i32>} : memref<1024xf32, #tpu.memory_space<vmem>>, vector<16xf32>,
      } {sc.loop_unroll_factor = 4 : i64, sc.parallel_access}
    } else {
    }
    %get3A = arith.constant 0 : index
    %get3A_39 = tpu.vector_load %arg5[%get3A] {strides = array<i32>} : memref<2048xi32, #tpu.memory_space<vmem>>, vector<16xi32>,
    %sub3A = arith.constant 1 : i32
    %sub3A_40 = vector.broadcast %sub3A : i32 to vector<16xi32>
    %sub3A_41 = arith.subi %iota3A, %sub3A_40 : vector<16xi32>
    %max3A = arith.constant 0 : i32
    %max3A_42 = vector.broadcast %max3A : i32 to vector<16xi32>
    %max3A_43 = arith.maxsi %sub3A_41, %max3A_42 : vector<16xi32>
    %gather3A_44 = tpu.vector_load_idx %arg5[%max3A_43] : memref<2048xi32, #tpu.memory_space<vmem>>[vector<16xi32>], vector<16xi32>,
    %gather3A_45 = tpu.vector_load_idx %arg5[%broadcast_in_dim3A_3] : memref<2048xi32, #tpu.memory_space<vmem>>[vector<16xi32>], vector<16xi32>,
    %broadcast_in_dim3A_46 = arith.constant 127 : i32
    %broadcast_in_dim3A_47 = vector.broadcast %broadcast_in_dim3A_46 : i32 to vector<16xi32>
    %gather3A_48 = tpu.vector_load_idx %arg7[%broadcast_in_dim3A_47] : memref<128xi32, #tpu.memory_space<vmem>>[vector<16xi32>], vector<16xi32>,
    %ne3A = arith.cmpi ne, %gather3A_45, %gather3A_48 : vector<16xi32>
    %eq3A_49 = arith.constant 0 : i32
    %eq3A_50 = arith.cmpi eq, %arg1, %eq3A_49 : i32
    %or3A = vector.broadcast %eq3A_50 : i1 to vector<16xi1>
    %or3A_51 = arith.ori %ne3A, %or3A : vector<16xi1>
    %ne3A_52 = arith.cmpi ne, %get3A_39, %gather3A_44 : vector<16xi32>
    %eq3A_53 = arith.constant 0 : i32
    %eq3A_54 = vector.broadcast %eq3A_53 : i32 to vector<16xi32>
    %eq3A_55 = arith.cmpi eq, %iota3A, %eq3A_54 : vector<16xi32>
    %and3A = arith.andi %eq3A_55, %or3A_51 : vector<16xi1>
    %or3A_56 = arith.ori %ne3A_52, %and3A : vector<16xi1>
    %sub3A_57 = arith.subi %get3A_39, %gather3A : vector<16xi32>
    %add3A_58 = vector.broadcast %mul3A_2 : i32 to vector<16xi32>
    %add3A_59 = arith.addi %add3A_58, %iota3A : vector<16xi32>
    tpu.vector_store_idx %arg10[%sub3A_57], %add3A_59 masked %or3A_56 : memref<1024xi32, #tpu.memory_space<vmem>>[vector<16xi32>], vector<16xi32>, vector<16xi1>
    %get3A_60 = arith.constant 0 : index
    %get3A_61 = tpu.vector_load %arg6[%get3A_60] {strides = array<i32>} : memref<2048xf32, #tpu.memory_space<vmem>>, vector<16xf32>,
    tpu.vector_store_idx %arg11[%sub3A_57], %get3A_61 masked %or3A_56 : memref<1024xf32, #tpu.memory_space<vmem>>[vector<16xi32>], vector<16xf32>, vector<16xi1>
    %parallel_loop3A_62 = arith.constant 1 : i32
    %parallel_loop3A_63 = arith.constant 128 : i32
    %parallel_loop3A_64 = arith.constant 1 : i32
    scf.for %parallel_loop3A_1097 = %parallel_loop3A_62 to %parallel_loop3A_63 step %parallel_loop3A_64  : i32 {
      %parallel_loop3A_1098 = arith.constant 16 : i32
      %parallel_loop3A_1099 = arith.muli %parallel_loop3A_1097, %parallel_loop3A_1098 : i32
      %parallel_loop3A_1100 = arith.index_cast %parallel_loop3A_1099 : i32 to index
      %parallel_loop3A_1101 = tpu.vector_load %arg5[%parallel_loop3A_1100] {strides = array<i32>} : memref<2048xi32, #tpu.memory_space<vmem>>, vector<16xi32>,
      %parallel_loop3A_1102 = arith.constant 16 : i32
      %parallel_loop3A_1103 = arith.muli %parallel_loop3A_1097, %parallel_loop3A_1102 : i32
      %parallel_loop3A_1104 = arith.constant 1 : i32
      %parallel_loop3A_1105 = arith.subi %parallel_loop3A_1103, %parallel_loop3A_1104 : i32
      %parallel_loop3A_1106 = arith.index_cast %parallel_loop3A_1105 : i32 to index
      %parallel_loop3A_1107 = tpu.vector_load %arg5[%parallel_loop3A_1106] {strides = array<i32>} : memref<2048xi32, #tpu.memory_space<vmem>>, vector<16xi32>,
      %parallel_loop3A_1108 = arith.cmpi ne, %parallel_loop3A_1101, %parallel_loop3A_1107 : vector<16xi32>
      %parallel_loop3A_1109 = arith.subi %parallel_loop3A_1101, %gather3A : vector<16xi32>
      %parallel_loop3A_1110 = arith.constant 16 : i32
      %parallel_loop3A_1111 = arith.muli %parallel_loop3A_1097, %parallel_loop3A_1110 : i32
      %parallel_loop3A_1112 = arith.addi %mul3A_2, %parallel_loop3A_1111 : i32
      %parallel_loop3A_1113 = vector.broadcast %parallel_loop3A_1112 : i32 to vector<16xi32>
      %parallel_loop3A_1114 = arith.addi %parallel_loop3A_1113, %iota3A : vector<16xi32>
      tpu.vector_store_idx %arg10[%parallel_loop3A_1109], %parallel_loop3A_1114 masked %parallel_loop3A_1108 : memref<1024xi32, #tpu.memory_space<vmem>>[vector<16xi32>], vector<16xi32>, vector<16xi1>
      %parallel_loop3A_1115 = arith.constant 16 : i32
      %parallel_loop3A_1116 = arith.muli %parallel_loop3A_1097, %parallel_loop3A_1115 : i32
      %parallel_loop3A_1117 = arith.index_cast %parallel_loop3A_1116 : i32 to index
      %parallel_loop3A_1118 = tpu.vector_load %arg6[%parallel_loop3A_1117] {strides = array<i32>} : memref<2048xf32, #tpu.memory_space<vmem>>, vector<16xf32>,
      tpu.vector_store_idx %arg11[%parallel_loop3A_1109], %parallel_loop3A_1118 masked %parallel_loop3A_1108 : memref<1024xf32, #tpu.memory_space<vmem>>[vector<16xi32>], vector<16xf32>, vector<16xi1>
    } {sc.loop_unroll_factor = 8 : i64, sc.parallel_access}
    %mul3A_65 = arith.constant 1024 : i32
    %mul3A_66 = arith.muli %arg1, %mul3A_65 : i32
    %dma_start3A_67 = tpu.memref_slice %arg15[%mul3A_66] : memref<16384xi32, #tpu.memory_space<vmem_shared>> -> memref<1024xi32, #tpu.memory_space<vmem_shared>>
    %dma_start3A_68 = tpu.memref_slice %arg15[%mul3A_66] : memref<16384xi32, #tpu.memory_space<vmem_shared>> -> memref<1024xi32, #tpu.memory_space<vmem_shared>>
    tpu.enqueue_dma source(%arg10 : memref<1024xi32, #tpu.memory_space<vmem>>) target(%dma_start3A_68 : memref<1024xi32, #tpu.memory_space<vmem_shared>>) target_semaphore(%arg17 : memref<!tpu.dma_semaphore, #tpu.memory_space<semaphore_mem>>)
    %mul3A_69 = arith.constant 1024 : i32
    %mul3A_70 = arith.muli %arg1, %mul3A_69 : i32
    %dma_start3A_71 = tpu.memref_slice %arg16[%mul3A_70] : memref<16384xf32, #tpu.memory_space<vmem_shared>> -> memref<1024xf32, #tpu.memory_space<vmem_shared>>
    %dma_start3A_72 = tpu.memref_slice %arg16[%mul3A_70] : memref<16384xf32, #tpu.memory_space<vmem_shared>> -> memref<1024xf32, #tpu.memory_space<vmem_shared>>
    tpu.enqueue_dma source(%arg11 : memref<1024xf32, #tpu.memory_space<vmem>>) target(%dma_start3A_72 : memref<1024xf32, #tpu.memory_space<vmem_shared>>) target_semaphore(%arg17 : memref<!tpu.dma_semaphore, #tpu.memory_space<semaphore_mem>>)
    %dma_wait3A_73 = tpu.memref_slice %arg15[%mul3A_66] : memref<16384xi32, #tpu.memory_space<vmem_shared>> -> memref<1024xi32, #tpu.memory_space<vmem_shared>>
    %dma_wait3A_74 = tpu.memref_slice %arg15[%mul3A_66] : memref<16384xi32, #tpu.memory_space<vmem_shared>> -> memref<1024xi32, #tpu.memory_space<vmem_shared>>
    tpu.wait_dma2 semaphore(%arg17 : memref<!tpu.dma_semaphore, #tpu.memory_space<semaphore_mem>>) src(%arg10 : memref<1024xi32, #tpu.memory_space<vmem>>) dst(%dma_wait3A_74 : memref<1024xi32, #tpu.memory_space<vmem_shared>>)
    %dma_wait3A_75 = tpu.memref_slice %arg16[%mul3A_70] : memref<16384xf32, #tpu.memory_space<vmem_shared>> -> memref<1024xf32, #tpu.memory_space<vmem_shared>>
    %dma_wait3A_76 = tpu.memref_slice %arg16[%mul3A_70] : memref<16384xf32, #tpu.memory_space<vmem_shared>> -> memref<1024xf32, #tpu.memory_space<vmem_shared>>
    tpu.wait_dma2 semaphore(%arg17 : memref<!tpu.dma_semaphore, #tpu.memory_space<semaphore_mem>>) src(%arg11 : memref<1024xf32, #tpu.memory_space<vmem>>) dst(%dma_wait3A_76 : memref<1024xf32, #tpu.memory_space<vmem_shared>>)
    %barrier3A = arith.constant 0 : index
    tpu.barrier barrier_id(%barrier3A)
    %jit3A = arith.constant 4 : i32
    %div3A = arith.divsi %add3A, %jit3A : i32
    %sign3A = arith.constant 0 : i32
    %sign3A_77 = arith.cmpi sgt, %add3A, %sign3A : i32
    %sign3A_78 = arith.extui %sign3A_77 : i1 to i32
    %sign3A_79 = arith.constant 0 : i32
    %sign3A_80 = arith.cmpi slt, %add3A, %sign3A_79 : i32
    %sign3A_81 = arith.extui %sign3A_80 : i1 to i32
    %sign3A_82 = arith.subi %sign3A_78, %sign3A_81 : i32
    %sign3A_83 = arith.constant 0 : i32
    %sign3A_84 = arith.cmpi sgt, %jit3A, %sign3A_83 : i32
    %sign3A_85 = arith.extui %sign3A_84 : i1 to i32
    %sign3A_86 = arith.constant 0 : i32
    %sign3A_87 = arith.cmpi slt, %jit3A, %sign3A_86 : i32
    %sign3A_88 = arith.extui %sign3A_87 : i1 to i32
    %sign3A_89 = arith.subi %sign3A_85, %sign3A_88 : i32
    %ne3A_90 = arith.cmpi ne, %sign3A_82, %sign3A_89 : i32
    %rem3A = arith.remsi %add3A, %jit3A : i32
    %ne3A_91 = arith.constant 0 : i32
    %ne3A_92 = arith.cmpi ne, %rem3A, %ne3A_91 : i32
    %and3A_93 = arith.andi %ne3A_90, %ne3A_92 : i1
    %sub3A_94 = arith.constant 1 : i32
    %sub3A_95 = arith.subi %div3A, %sub3A_94 : i32
    %select_n3A = arith.select %and3A_93, %sub3A_95, %div3A : i32
    %mul3A_96 = arith.constant 128 : i32
    %mul3A_97 = arith.muli %select_n3A, %mul3A_96 : i32
    %jit3A_98 = arith.constant 4 : i32
    %eq3A_99 = arith.constant 0 : i32
    %eq3A_100 = arith.cmpi eq, %jit3A_98, %eq3A_99 : i32
    %jit3A_101 = arith.constant 1 : i32
    %select_n3A_102 = arith.select %eq3A_100, %jit3A_101, %jit3A_98 : i32
    %rem3A_103 = arith.remsi %add3A, %select_n3A_102 : i32
    %ne3A_104 = arith.constant 0 : i32
    %ne3A_105 = arith.cmpi ne, %rem3A_103, %ne3A_104 : i32
    %lt3A = arith.constant 0 : i32
    %lt3A_106 = arith.cmpi slt, %rem3A_103, %lt3A : i32
    %lt3A_107 = arith.constant 0 : i32
    %lt3A_108 = arith.cmpi slt, %select_n3A_102, %lt3A_107 : i32
    %ne3A_109 = arith.xori %lt3A_106, %lt3A_108 : i1
    %and3A_110 = arith.andi %ne3A_109, %ne3A_105 : i1
    %add3A_111 = arith.addi %rem3A_103, %select_n3A_102 : i32
    %select_n3A_112 = arith.select %and3A_110, %add3A_111, %rem3A_103 : i32
    %mul3A_113 = arith.constant 32 : i32
    %mul3A_114 = arith.muli %select_n3A_112, %mul3A_113 : i32
    %add3A_115 = arith.constant 0 : i32
    %add3A_116 = arith.addi %add3A_115, %mul3A_97 : i32
    %dma_start3A_117 = arith.constant 0 : i32
    %dma_start3A_118 = tpu.memref_slice %arg12[%dma_start3A_117] : memref<2048xi32, #tpu.memory_space<vmem>> -> memref<128xi32, #tpu.memory_space<vmem>>
    %dma_start3A_119 = tpu.memref_slice %arg15[%add3A_116] : memref<16384xi32, #tpu.memory_space<vmem_shared>> -> memref<128xi32, #tpu.memory_space<vmem_shared>>
    %dma_start3A_120 = arith.constant 0 : i32
    %dma_start3A_121 = tpu.memref_slice %arg12[%dma_start3A_120] : memref<2048xi32, #tpu.memory_space<vmem>> -> memref<128xi32, #tpu.memory_space<vmem>>
    %dma_start3A_122 = tpu.memref_slice %arg15[%add3A_116] : memref<16384xi32, #tpu.memory_space<vmem_shared>> -> memref<128xi32, #tpu.memory_space<vmem_shared>>
    tpu.enqueue_dma source(%dma_start3A_122 : memref<128xi32, #tpu.memory_space<vmem_shared>>) target(%dma_start3A_121 : memref<128xi32, #tpu.memory_space<vmem>>) target_semaphore(%arg17 : memref<!tpu.dma_semaphore, #tpu.memory_space<semaphore_mem>>)
    %add3A_123 = arith.constant 0 : i32
    %add3A_124 = arith.addi %add3A_123, %mul3A_97 : i32
    %dma_start3A_125 = arith.constant 0 : i32
    %dma_start3A_126 = tpu.memref_slice %arg13[%dma_start3A_125] : memref<2048xf32, #tpu.memory_space<vmem>> -> memref<128xf32, #tpu.memory_space<vmem>>
    %dma_start3A_127 = tpu.memref_slice %arg16[%add3A_124] : memref<16384xf32, #tpu.memory_space<vmem_shared>> -> memref<128xf32, #tpu.memory_space<vmem_shared>>
    %dma_start3A_128 = arith.constant 0 : i32
    %dma_start3A_129 = tpu.memref_slice %arg13[%dma_start3A_128] : memref<2048xf32, #tpu.memory_space<vmem>> -> memref<128xf32, #tpu.memory_space<vmem>>
    %dma_start3A_130 = tpu.memref_slice %arg16[%add3A_124] : memref<16384xf32, #tpu.memory_space<vmem_shared>> -> memref<128xf32, #tpu.memory_space<vmem_shared>>
    tpu.enqueue_dma source(%dma_start3A_130 : memref<128xf32, #tpu.memory_space<vmem_shared>>) target(%dma_start3A_129 : memref<128xf32, #tpu.memory_space<vmem>>) target_semaphore(%arg17 : memref<!tpu.dma_semaphore, #tpu.memory_space<semaphore_mem>>)
    %add3A_131 = arith.constant 1024 : i32
    %add3A_132 = arith.addi %add3A_131, %mul3A_97 : i32
    %dma_start3A_133 = arith.constant 128 : i32
    %dma_start3A_134 = tpu.memref_slice %arg12[%dma_start3A_133] : memref<2048xi32, #tpu.memory_space<vmem>> -> memref<128xi32, #tpu.memory_space<vmem>>
    %dma_start3A_135 = tpu.memref_slice %arg15[%add3A_132] : memref<16384xi32, #tpu.memory_space<vmem_shared>> -> memref<128xi32, #tpu.memory_space<vmem_shared>>
    %dma_start3A_136 = arith.constant 128 : i32
    %dma_start3A_137 = tpu.memref_slice %arg12[%dma_start3A_136] : memref<2048xi32, #tpu.memory_space<vmem>> -> memref<128xi32, #tpu.memory_space<vmem>>
    %dma_start3A_138 = tpu.memref_slice %arg15[%add3A_132] : memref<16384xi32, #tpu.memory_space<vmem_shared>> -> memref<128xi32, #tpu.memory_space<vmem_shared>>
    tpu.enqueue_dma source(%dma_start3A_138 : memref<128xi32, #tpu.memory_space<vmem_shared>>) target(%dma_start3A_137 : memref<128xi32, #tpu.memory_space<vmem>>) target_semaphore(%arg17 : memref<!tpu.dma_semaphore, #tpu.memory_space<semaphore_mem>>)
    %add3A_139 = arith.constant 1024 : i32
    %add3A_140 = arith.addi %add3A_139, %mul3A_97 : i32
    %dma_start3A_141 = arith.constant 128 : i32
    %dma_start3A_142 = tpu.memref_slice %arg13[%dma_start3A_141] : memref<2048xf32, #tpu.memory_space<vmem>> -> memref<128xf32, #tpu.memory_space<vmem>>
    %dma_start3A_143 = tpu.memref_slice %arg16[%add3A_140] : memref<16384xf32, #tpu.memory_space<vmem_shared>> -> memref<128xf32, #tpu.memory_space<vmem_shared>>
    %dma_start3A_144 = arith.constant 128 : i32
    %dma_start3A_145 = tpu.memref_slice %arg13[%dma_start3A_144] : memref<2048xf32, #tpu.memory_space<vmem>> -> memref<128xf32, #tpu.memory_space<vmem>>
    %dma_start3A_146 = tpu.memref_slice %arg16[%add3A_140] : memref<16384xf32, #tpu.memory_space<vmem_shared>> -> memref<128xf32, #tpu.memory_space<vmem_shared>>
    tpu.enqueue_dma source(%dma_start3A_146 : memref<128xf32, #tpu.memory_space<vmem_shared>>) target(%dma_start3A_145 : memref<128xf32, #tpu.memory_space<vmem>>) target_semaphore(%arg17 : memref<!tpu.dma_semaphore, #tpu.memory_space<semaphore_mem>>)
    %add3A_147 = arith.constant 2048 : i32
    %add3A_148 = arith.addi %add3A_147, %mul3A_97 : i32
    %dma_start3A_149 = arith.constant 256 : i32
    %dma_start3A_150 = tpu.memref_slice %arg12[%dma_start3A_149] : memref<2048xi32, #tpu.memory_space<vmem>> -> memref<128xi32, #tpu.memory_space<vmem>>
    %dma_start3A_151 = tpu.memref_slice %arg15[%add3A_148] : memref<16384xi32, #tpu.memory_space<vmem_shared>> -> memref<128xi32, #tpu.memory_space<vmem_shared>>
    %dma_start3A_152 = arith.constant 256 : i32
    %dma_start3A_153 = tpu.memref_slice %arg12[%dma_start3A_152] : memref<2048xi32, #tpu.memory_space<vmem>> -> memref<128xi32, #tpu.memory_space<vmem>>
    %dma_start3A_154 = tpu.memref_slice %arg15[%add3A_148] : memref<16384xi32, #tpu.memory_space<vmem_shared>> -> memref<128xi32, #tpu.memory_space<vmem_shared>>
    tpu.enqueue_dma source(%dma_start3A_154 : memref<128xi32, #tpu.memory_space<vmem_shared>>) target(%dma_start3A_153 : memref<128xi32, #tpu.memory_space<vmem>>) target_semaphore(%arg17 : memref<!tpu.dma_semaphore, #tpu.memory_space<semaphore_mem>>)
    %add3A_155 = arith.constant 2048 : i32
    %add3A_156 = arith.addi %add3A_155, %mul3A_97 : i32
    %dma_start3A_157 = arith.constant 256 : i32
    %dma_start3A_158 = tpu.memref_slice %arg13[%dma_start3A_157] : memref<2048xf32, #tpu.memory_space<vmem>> -> memref<128xf32, #tpu.memory_space<vmem>>
    %dma_start3A_159 = tpu.memref_slice %arg16[%add3A_156] : memref<16384xf32, #tpu.memory_space<vmem_shared>> -> memref<128xf32, #tpu.memory_space<vmem_shared>>
    %dma_start3A_160 = arith.constant 256 : i32
    %dma_start3A_161 = tpu.memref_slice %arg13[%dma_start3A_160] : memref<2048xf32, #tpu.memory_space<vmem>> -> memref<128xf32, #tpu.memory_space<vmem>>
    %dma_start3A_162 = tpu.memref_slice %arg16[%add3A_156] : memref<16384xf32, #tpu.memory_space<vmem_shared>> -> memref<128xf32, #tpu.memory_space<vmem_shared>>
    tpu.enqueue_dma source(%dma_start3A_162 : memref<128xf32, #tpu.memory_space<vmem_shared>>) target(%dma_start3A_161 : memref<128xf32, #tpu.memory_space<vmem>>) target_semaphore(%arg17 : memref<!tpu.dma_semaphore, #tpu.memory_space<semaphore_mem>>)
    %add3A_163 = arith.constant 3072 : i32
    %add3A_164 = arith.addi %add3A_163, %mul3A_97 : i32
    %dma_start3A_165 = arith.constant 384 : i32
    %dma_start3A_166 = tpu.memref_slice %arg12[%dma_start3A_165] : memref<2048xi32, #tpu.memory_space<vmem>> -> memref<128xi32, #tpu.memory_space<vmem>>
    %dma_start3A_167 = tpu.memref_slice %arg15[%add3A_164] : memref<16384xi32, #tpu.memory_space<vmem_shared>> -> memref<128xi32, #tpu.memory_space<vmem_shared>>
    %dma_start3A_168 = arith.constant 384 : i32
    %dma_start3A_169 = tpu.memref_slice %arg12[%dma_start3A_168] : memref<2048xi32, #tpu.memory_space<vmem>> -> memref<128xi32, #tpu.memory_space<vmem>>
    %dma_start3A_170 = tpu.memref_slice %arg15[%add3A_164] : memref<16384xi32, #tpu.memory_space<vmem_shared>> -> memref<128xi32, #tpu.memory_space<vmem_shared>>
    tpu.enqueue_dma source(%dma_start3A_170 : memref<128xi32, #tpu.memory_space<vmem_shared>>) target(%dma_start3A_169 : memref<128xi32, #tpu.memory_space<vmem>>) target_semaphore(%arg17 : memref<!tpu.dma_semaphore, #tpu.memory_space<semaphore_mem>>)
    %add3A_171 = arith.constant 3072 : i32
    %add3A_172 = arith.addi %add3A_171, %mul3A_97 : i32
    %dma_start3A_173 = arith.constant 384 : i32
    %dma_start3A_174 = tpu.memref_slice %arg13[%dma_start3A_173] : memref<2048xf32, #tpu.memory_space<vmem>> -> memref<128xf32, #tpu.memory_space<vmem>>
    %dma_start3A_175 = tpu.memref_slice %arg16[%add3A_172] : memref<16384xf32, #tpu.memory_space<vmem_shared>> -> memref<128xf32, #tpu.memory_space<vmem_shared>>
    %dma_start3A_176 = arith.constant 384 : i32
    %dma_start3A_177 = tpu.memref_slice %arg13[%dma_start3A_176] : memref<2048xf32, #tpu.memory_space<vmem>> -> memref<128xf32, #tpu.memory_space<vmem>>
    %dma_start3A_178 = tpu.memref_slice %arg16[%add3A_172] : memref<16384xf32, #tpu.memory_space<vmem_shared>> -> memref<128xf32, #tpu.memory_space<vmem_shared>>
    tpu.enqueue_dma source(%dma_start3A_178 : memref<128xf32, #tpu.memory_space<vmem_shared>>) target(%dma_start3A_177 : memref<128xf32, #tpu.memory_space<vmem>>) target_semaphore(%arg17 : memref<!tpu.dma_semaphore, #tpu.memory_space<semaphore_mem>>)
    %add3A_179 = arith.constant 4096 : i32
    %add3A_180 = arith.addi %add3A_179, %mul3A_97 : i32
    %dma_start3A_181 = arith.constant 512 : i32
    %dma_start3A_182 = tpu.memref_slice %arg12[%dma_start3A_181] : memref<2048xi32, #tpu.memory_space<vmem>> -> memref<128xi32, #tpu.memory_space<vmem>>
    %dma_start3A_183 = tpu.memref_slice %arg15[%add3A_180] : memref<16384xi32, #tpu.memory_space<vmem_shared>> -> memref<128xi32, #tpu.memory_space<vmem_shared>>
    %dma_start3A_184 = arith.constant 512 : i32
    %dma_start3A_185 = tpu.memref_slice %arg12[%dma_start3A_184] : memref<2048xi32, #tpu.memory_space<vmem>> -> memref<128xi32, #tpu.memory_space<vmem>>
    %dma_start3A_186 = tpu.memref_slice %arg15[%add3A_180] : memref<16384xi32, #tpu.memory_space<vmem_shared>> -> memref<128xi32, #tpu.memory_space<vmem_shared>>
    tpu.enqueue_dma source(%dma_start3A_186 : memref<128xi32, #tpu.memory_space<vmem_shared>>) target(%dma_start3A_185 : memref<128xi32, #tpu.memory_space<vmem>>) target_semaphore(%arg17 : memref<!tpu.dma_semaphore, #tpu.memory_space<semaphore_mem>>)
    %add3A_187 = arith.constant 4096 : i32
    %add3A_188 = arith.addi %add3A_187, %mul3A_97 : i32
    %dma_start3A_189 = arith.constant 512 : i32
    %dma_start3A_190 = tpu.memref_slice %arg13[%dma_start3A_189] : memref<2048xf32, #tpu.memory_space<vmem>> -> memref<128xf32, #tpu.memory_space<vmem>>
    %dma_start3A_191 = tpu.memref_slice %arg16[%add3A_188] : memref<16384xf32, #tpu.memory_space<vmem_shared>> -> memref<128xf32, #tpu.memory_space<vmem_shared>>
    %dma_start3A_192 = arith.constant 512 : i32
    %dma_start3A_193 = tpu.memref_slice %arg13[%dma_start3A_192] : memref<2048xf32, #tpu.memory_space<vmem>> -> memref<128xf32, #tpu.memory_space<vmem>>
    %dma_start3A_194 = tpu.memref_slice %arg16[%add3A_188] : memref<16384xf32, #tpu.memory_space<vmem_shared>> -> memref<128xf32, #tpu.memory_space<vmem_shared>>
    tpu.enqueue_dma source(%dma_start3A_194 : memref<128xf32, #tpu.memory_space<vmem_shared>>) target(%dma_start3A_193 : memref<128xf32, #tpu.memory_space<vmem>>) target_semaphore(%arg17 : memref<!tpu.dma_semaphore, #tpu.memory_space<semaphore_mem>>)
    %add3A_195 = arith.constant 5120 : i32
    %add3A_196 = arith.addi %add3A_195, %mul3A_97 : i32
    %dma_start3A_197 = arith.constant 640 : i32
    %dma_start3A_198 = tpu.memref_slice %arg12[%dma_start3A_197] : memref<2048xi32, #tpu.memory_space<vmem>> -> memref<128xi32, #tpu.memory_space<vmem>>
    %dma_start3A_199 = tpu.memref_slice %arg15[%add3A_196] : memref<16384xi32, #tpu.memory_space<vmem_shared>> -> memref<128xi32, #tpu.memory_space<vmem_shared>>
    %dma_start3A_200 = arith.constant 640 : i32
    %dma_start3A_201 = tpu.memref_slice %arg12[%dma_start3A_200] : memref<2048xi32, #tpu.memory_space<vmem>> -> memref<128xi32, #tpu.memory_space<vmem>>
    %dma_start3A_202 = tpu.memref_slice %arg15[%add3A_196] : memref<16384xi32, #tpu.memory_space<vmem_shared>> -> memref<128xi32, #tpu.memory_space<vmem_shared>>
    tpu.enqueue_dma source(%dma_start3A_202 : memref<128xi32, #tpu.memory_space<vmem_shared>>) target(%dma_start3A_201 : memref<128xi32, #tpu.memory_space<vmem>>) target_semaphore(%arg17 : memref<!tpu.dma_semaphore, #tpu.memory_space<semaphore_mem>>)
    %add3A_203 = arith.constant 5120 : i32
    %add3A_204 = arith.addi %add3A_203, %mul3A_97 : i32
    %dma_start3A_205 = arith.constant 640 : i32
    %dma_start3A_206 = tpu.memref_slice %arg13[%dma_start3A_205] : memref<2048xf32, #tpu.memory_space<vmem>> -> memref<128xf32, #tpu.memory_space<vmem>>
    %dma_start3A_207 = tpu.memref_slice %arg16[%add3A_204] : memref<16384xf32, #tpu.memory_space<vmem_shared>> -> memref<128xf32, #tpu.memory_space<vmem_shared>>
    %dma_start3A_208 = arith.constant 640 : i32
    %dma_start3A_209 = tpu.memref_slice %arg13[%dma_start3A_208] : memref<2048xf32, #tpu.memory_space<vmem>> -> memref<128xf32, #tpu.memory_space<vmem>>
    %dma_start3A_210 = tpu.memref_slice %arg16[%add3A_204] : memref<16384xf32, #tpu.memory_space<vmem_shared>> -> memref<128xf32, #tpu.memory_space<vmem_shared>>
    tpu.enqueue_dma source(%dma_start3A_210 : memref<128xf32, #tpu.memory_space<vmem_shared>>) target(%dma_start3A_209 : memref<128xf32, #tpu.memory_space<vmem>>) target_semaphore(%arg17 : memref<!tpu.dma_semaphore, #tpu.memory_space<semaphore_mem>>)
    %add3A_211 = arith.constant 6144 : i32
    %add3A_212 = arith.addi %add3A_211, %mul3A_97 : i32
    %dma_start3A_213 = arith.constant 768 : i32
    %dma_start3A_214 = tpu.memref_slice %arg12[%dma_start3A_213] : memref<2048xi32, #tpu.memory_space<vmem>> -> memref<128xi32, #tpu.memory_space<vmem>>
    %dma_start3A_215 = tpu.memref_slice %arg15[%add3A_212] : memref<16384xi32, #tpu.memory_space<vmem_shared>> -> memref<128xi32, #tpu.memory_space<vmem_shared>>
    %dma_start3A_216 = arith.constant 768 : i32
    %dma_start3A_217 = tpu.memref_slice %arg12[%dma_start3A_216] : memref<2048xi32, #tpu.memory_space<vmem>> -> memref<128xi32, #tpu.memory_space<vmem>>
    %dma_start3A_218 = tpu.memref_slice %arg15[%add3A_212] : memref<16384xi32, #tpu.memory_space<vmem_shared>> -> memref<128xi32, #tpu.memory_space<vmem_shared>>
    tpu.enqueue_dma source(%dma_start3A_218 : memref<128xi32, #tpu.memory_space<vmem_shared>>) target(%dma_start3A_217 : memref<128xi32, #tpu.memory_space<vmem>>) target_semaphore(%arg17 : memref<!tpu.dma_semaphore, #tpu.memory_space<semaphore_mem>>)
    %add3A_219 = arith.constant 6144 : i32
    %add3A_220 = arith.addi %add3A_219, %mul3A_97 : i32
    %dma_start3A_221 = arith.constant 768 : i32
    %dma_start3A_222 = tpu.memref_slice %arg13[%dma_start3A_221] : memref<2048xf32, #tpu.memory_space<vmem>> -> memref<128xf32, #tpu.memory_space<vmem>>
    %dma_start3A_223 = tpu.memref_slice %arg16[%add3A_220] : memref<16384xf32, #tpu.memory_space<vmem_shared>> -> memref<128xf32, #tpu.memory_space<vmem_shared>>
    %dma_start3A_224 = arith.constant 768 : i32
    %dma_start3A_225 = tpu.memref_slice %arg13[%dma_start3A_224] : memref<2048xf32, #tpu.memory_space<vmem>> -> memref<128xf32, #tpu.memory_space<vmem>>
    %dma_start3A_226 = tpu.memref_slice %arg16[%add3A_220] : memref<16384xf32, #tpu.memory_space<vmem_shared>> -> memref<128xf32, #tpu.memory_space<vmem_shared>>
    tpu.enqueue_dma source(%dma_start3A_226 : memref<128xf32, #tpu.memory_space<vmem_shared>>) target(%dma_start3A_225 : memref<128xf32, #tpu.memory_space<vmem>>) target_semaphore(%arg17 : memref<!tpu.dma_semaphore, #tpu.memory_space<semaphore_mem>>)
    %add3A_227 = arith.constant 7168 : i32
    %add3A_228 = arith.addi %add3A_227, %mul3A_97 : i32
    %dma_start3A_229 = arith.constant 896 : i32
    %dma_start3A_230 = tpu.memref_slice %arg12[%dma_start3A_229] : memref<2048xi32, #tpu.memory_space<vmem>> -> memref<128xi32, #tpu.memory_space<vmem>>
    %dma_start3A_231 = tpu.memref_slice %arg15[%add3A_228] : memref<16384xi32, #tpu.memory_space<vmem_shared>> -> memref<128xi32, #tpu.memory_space<vmem_shared>>
    %dma_start3A_232 = arith.constant 896 : i32
    %dma_start3A_233 = tpu.memref_slice %arg12[%dma_start3A_232] : memref<2048xi32, #tpu.memory_space<vmem>> -> memref<128xi32, #tpu.memory_space<vmem>>
    %dma_start3A_234 = tpu.memref_slice %arg15[%add3A_228] : memref<16384xi32, #tpu.memory_space<vmem_shared>> -> memref<128xi32, #tpu.memory_space<vmem_shared>>
    tpu.enqueue_dma source(%dma_start3A_234 : memref<128xi32, #tpu.memory_space<vmem_shared>>) target(%dma_start3A_233 : memref<128xi32, #tpu.memory_space<vmem>>) target_semaphore(%arg17 : memref<!tpu.dma_semaphore, #tpu.memory_space<semaphore_mem>>)
    %add3A_235 = arith.constant 7168 : i32
    %add3A_236 = arith.addi %add3A_235, %mul3A_97 : i32
    %dma_start3A_237 = arith.constant 896 : i32
    %dma_start3A_238 = tpu.memref_slice %arg13[%dma_start3A_237] : memref<2048xf32, #tpu.memory_space<vmem>> -> memref<128xf32, #tpu.memory_space<vmem>>
    %dma_start3A_239 = tpu.memref_slice %arg16[%add3A_236] : memref<16384xf32, #tpu.memory_space<vmem_shared>> -> memref<128xf32, #tpu.memory_space<vmem_shared>>
    %dma_start3A_240 = arith.constant 896 : i32
    %dma_start3A_241 = tpu.memref_slice %arg13[%dma_start3A_240] : memref<2048xf32, #tpu.memory_space<vmem>> -> memref<128xf32, #tpu.memory_space<vmem>>
    %dma_start3A_242 = tpu.memref_slice %arg16[%add3A_236] : memref<16384xf32, #tpu.memory_space<vmem_shared>> -> memref<128xf32, #tpu.memory_space<vmem_shared>>
    tpu.enqueue_dma source(%dma_start3A_242 : memref<128xf32, #tpu.memory_space<vmem_shared>>) target(%dma_start3A_241 : memref<128xf32, #tpu.memory_space<vmem>>) target_semaphore(%arg17 : memref<!tpu.dma_semaphore, #tpu.memory_space<semaphore_mem>>)
    %add3A_243 = arith.constant 8192 : i32
    %add3A_244 = arith.addi %add3A_243, %mul3A_97 : i32
    %dma_start3A_245 = arith.constant 1024 : i32
    %dma_start3A_246 = tpu.memref_slice %arg12[%dma_start3A_245] : memref<2048xi32, #tpu.memory_space<vmem>> -> memref<128xi32, #tpu.memory_space<vmem>>
    %dma_start3A_247 = tpu.memref_slice %arg15[%add3A_244] : memref<16384xi32, #tpu.memory_space<vmem_shared>> -> memref<128xi32, #tpu.memory_space<vmem_shared>>
    %dma_start3A_248 = arith.constant 1024 : i32
    %dma_start3A_249 = tpu.memref_slice %arg12[%dma_start3A_248] : memref<2048xi32, #tpu.memory_space<vmem>> -> memref<128xi32, #tpu.memory_space<vmem>>
    %dma_start3A_250 = tpu.memref_slice %arg15[%add3A_244] : memref<16384xi32, #tpu.memory_space<vmem_shared>> -> memref<128xi32, #tpu.memory_space<vmem_shared>>
    tpu.enqueue_dma source(%dma_start3A_250 : memref<128xi32, #tpu.memory_space<vmem_shared>>) target(%dma_start3A_249 : memref<128xi32, #tpu.memory_space<vmem>>) target_semaphore(%arg17 : memref<!tpu.dma_semaphore, #tpu.memory_space<semaphore_mem>>)
    %add3A_251 = arith.constant 8192 : i32
    %add3A_252 = arith.addi %add3A_251, %mul3A_97 : i32
    %dma_start3A_253 = arith.constant 1024 : i32
    %dma_start3A_254 = tpu.memref_slice %arg13[%dma_start3A_253] : memref<2048xf32, #tpu.memory_space<vmem>> -> memref<128xf32, #tpu.memory_space<vmem>>
    %dma_start3A_255 = tpu.memref_slice %arg16[%add3A_252] : memref<16384xf32, #tpu.memory_space<vmem_shared>> -> memref<128xf32, #tpu.memory_space<vmem_shared>>
    %dma_start3A_256 = arith.constant 1024 : i32
    %dma_start3A_257 = tpu.memref_slice %arg13[%dma_start3A_256] : memref<2048xf32, #tpu.memory_space<vmem>> -> memref<128xf32, #tpu.memory_space<vmem>>
    %dma_start3A_258 = tpu.memref_slice %arg16[%add3A_252] : memref<16384xf32, #tpu.memory_space<vmem_shared>> -> memref<128xf32, #tpu.memory_space<vmem_shared>>
    tpu.enqueue_dma source(%dma_start3A_258 : memref<128xf32, #tpu.memory_space<vmem_shared>>) target(%dma_start3A_257 : memref<128xf32, #tpu.memory_space<vmem>>) target_semaphore(%arg17 : memref<!tpu.dma_semaphore, #tpu.memory_space<semaphore_mem>>)
    %add3A_259 = arith.constant 9216 : i32
    %add3A_260 = arith.addi %add3A_259, %mul3A_97 : i32
    %dma_start3A_261 = arith.constant 1152 : i32
    %dma_start3A_262 = tpu.memref_slice %arg12[%dma_start3A_261] : memref<2048xi32, #tpu.memory_space<vmem>> -> memref<128xi32, #tpu.memory_space<vmem>>
    %dma_start3A_263 = tpu.memref_slice %arg15[%add3A_260] : memref<16384xi32, #tpu.memory_space<vmem_shared>> -> memref<128xi32, #tpu.memory_space<vmem_shared>>
    %dma_start3A_264 = arith.constant 1152 : i32
    %dma_start3A_265 = tpu.memref_slice %arg12[%dma_start3A_264] : memref<2048xi32, #tpu.memory_space<vmem>> -> memref<128xi32, #tpu.memory_space<vmem>>
    %dma_start3A_266 = tpu.memref_slice %arg15[%add3A_260] : memref<16384xi32, #tpu.memory_space<vmem_shared>> -> memref<128xi32, #tpu.memory_space<vmem_shared>>
    tpu.enqueue_dma source(%dma_start3A_266 : memref<128xi32, #tpu.memory_space<vmem_shared>>) target(%dma_start3A_265 : memref<128xi32, #tpu.memory_space<vmem>>) target_semaphore(%arg17 : memref<!tpu.dma_semaphore, #tpu.memory_space<semaphore_mem>>)
    %add3A_267 = arith.constant 9216 : i32
    %add3A_268 = arith.addi %add3A_267, %mul3A_97 : i32
    %dma_start3A_269 = arith.constant 1152 : i32
    %dma_start3A_270 = tpu.memref_slice %arg13[%dma_start3A_269] : memref<2048xf32, #tpu.memory_space<vmem>> -> memref<128xf32, #tpu.memory_space<vmem>>
    %dma_start3A_271 = tpu.memref_slice %arg16[%add3A_268] : memref<16384xf32, #tpu.memory_space<vmem_shared>> -> memref<128xf32, #tpu.memory_space<vmem_shared>>
    %dma_start3A_272 = arith.constant 1152 : i32
    %dma_start3A_273 = tpu.memref_slice %arg13[%dma_start3A_272] : memref<2048xf32, #tpu.memory_space<vmem>> -> memref<128xf32, #tpu.memory_space<vmem>>
    %dma_start3A_274 = tpu.memref_slice %arg16[%add3A_268] : memref<16384xf32, #tpu.memory_space<vmem_shared>> -> memref<128xf32, #tpu.memory_space<vmem_shared>>
    tpu.enqueue_dma source(%dma_start3A_274 : memref<128xf32, #tpu.memory_space<vmem_shared>>) target(%dma_start3A_273 : memref<128xf32, #tpu.memory_space<vmem>>) target_semaphore(%arg17 : memref<!tpu.dma_semaphore, #tpu.memory_space<semaphore_mem>>)
    %add3A_275 = arith.constant 10240 : i32
    %add3A_276 = arith.addi %add3A_275, %mul3A_97 : i32
    %dma_start3A_277 = arith.constant 1280 : i32
    %dma_start3A_278 = tpu.memref_slice %arg12[%dma_start3A_277] : memref<2048xi32, #tpu.memory_space<vmem>> -> memref<128xi32, #tpu.memory_space<vmem>>
    %dma_start3A_279 = tpu.memref_slice %arg15[%add3A_276] : memref<16384xi32, #tpu.memory_space<vmem_shared>> -> memref<128xi32, #tpu.memory_space<vmem_shared>>
    %dma_start3A_280 = arith.constant 1280 : i32
    %dma_start3A_281 = tpu.memref_slice %arg12[%dma_start3A_280] : memref<2048xi32, #tpu.memory_space<vmem>> -> memref<128xi32, #tpu.memory_space<vmem>>
    %dma_start3A_282 = tpu.memref_slice %arg15[%add3A_276] : memref<16384xi32, #tpu.memory_space<vmem_shared>> -> memref<128xi32, #tpu.memory_space<vmem_shared>>
    tpu.enqueue_dma source(%dma_start3A_282 : memref<128xi32, #tpu.memory_space<vmem_shared>>) target(%dma_start3A_281 : memref<128xi32, #tpu.memory_space<vmem>>) target_semaphore(%arg17 : memref<!tpu.dma_semaphore, #tpu.memory_space<semaphore_mem>>)
    %add3A_283 = arith.constant 10240 : i32
    %add3A_284 = arith.addi %add3A_283, %mul3A_97 : i32
    %dma_start3A_285 = arith.constant 1280 : i32
    %dma_start3A_286 = tpu.memref_slice %arg13[%dma_start3A_285] : memref<2048xf32, #tpu.memory_space<vmem>> -> memref<128xf32, #tpu.memory_space<vmem>>
    %dma_start3A_287 = tpu.memref_slice %arg16[%add3A_284] : memref<16384xf32, #tpu.memory_space<vmem_shared>> -> memref<128xf32, #tpu.memory_space<vmem_shared>>
    %dma_start3A_288 = arith.constant 1280 : i32
    %dma_start3A_289 = tpu.memref_slice %arg13[%dma_start3A_288] : memref<2048xf32, #tpu.memory_space<vmem>> -> memref<128xf32, #tpu.memory_space<vmem>>
    %dma_start3A_290 = tpu.memref_slice %arg16[%add3A_284] : memref<16384xf32, #tpu.memory_space<vmem_shared>> -> memref<128xf32, #tpu.memory_space<vmem_shared>>
    tpu.enqueue_dma source(%dma_start3A_290 : memref<128xf32, #tpu.memory_space<vmem_shared>>) target(%dma_start3A_289 : memref<128xf32, #tpu.memory_space<vmem>>) target_semaphore(%arg17 : memref<!tpu.dma_semaphore, #tpu.memory_space<semaphore_mem>>)
    %add3A_291 = arith.constant 11264 : i32
    %add3A_292 = arith.addi %add3A_291, %mul3A_97 : i32
    %dma_start3A_293 = arith.constant 1408 : i32
    %dma_start3A_294 = tpu.memref_slice %arg12[%dma_start3A_293] : memref<2048xi32, #tpu.memory_space<vmem>> -> memref<128xi32, #tpu.memory_space<vmem>>
    %dma_start3A_295 = tpu.memref_slice %arg15[%add3A_292] : memref<16384xi32, #tpu.memory_space<vmem_shared>> -> memref<128xi32, #tpu.memory_space<vmem_shared>>
    %dma_start3A_296 = arith.constant 1408 : i32
    %dma_start3A_297 = tpu.memref_slice %arg12[%dma_start3A_296] : memref<2048xi32, #tpu.memory_space<vmem>> -> memref<128xi32, #tpu.memory_space<vmem>>
    %dma_start3A_298 = tpu.memref_slice %arg15[%add3A_292] : memref<16384xi32, #tpu.memory_space<vmem_shared>> -> memref<128xi32, #tpu.memory_space<vmem_shared>>
    tpu.enqueue_dma source(%dma_start3A_298 : memref<128xi32, #tpu.memory_space<vmem_shared>>) target(%dma_start3A_297 : memref<128xi32, #tpu.memory_space<vmem>>) target_semaphore(%arg17 : memref<!tpu.dma_semaphore, #tpu.memory_space<semaphore_mem>>)
    %add3A_299 = arith.constant 11264 : i32
    %add3A_300 = arith.addi %add3A_299, %mul3A_97 : i32
    %dma_start3A_301 = arith.constant 1408 : i32
    %dma_start3A_302 = tpu.memref_slice %arg13[%dma_start3A_301] : memref<2048xf32, #tpu.memory_space<vmem>> -> memref<128xf32, #tpu.memory_space<vmem>>
    %dma_start3A_303 = tpu.memref_slice %arg16[%add3A_300] : memref<16384xf32, #tpu.memory_space<vmem_shared>> -> memref<128xf32, #tpu.memory_space<vmem_shared>>
    %dma_start3A_304 = arith.constant 1408 : i32
    %dma_start3A_305 = tpu.memref_slice %arg13[%dma_start3A_304] : memref<2048xf32, #tpu.memory_space<vmem>> -> memref<128xf32, #tpu.memory_space<vmem>>
    %dma_start3A_306 = tpu.memref_slice %arg16[%add3A_300] : memref<16384xf32, #tpu.memory_space<vmem_shared>> -> memref<128xf32, #tpu.memory_space<vmem_shared>>
    tpu.enqueue_dma source(%dma_start3A_306 : memref<128xf32, #tpu.memory_space<vmem_shared>>) target(%dma_start3A_305 : memref<128xf32, #tpu.memory_space<vmem>>) target_semaphore(%arg17 : memref<!tpu.dma_semaphore, #tpu.memory_space<semaphore_mem>>)
    %add3A_307 = arith.constant 12288 : i32
    %add3A_308 = arith.addi %add3A_307, %mul3A_97 : i32
    %dma_start3A_309 = arith.constant 1536 : i32
    %dma_start3A_310 = tpu.memref_slice %arg12[%dma_start3A_309] : memref<2048xi32, #tpu.memory_space<vmem>> -> memref<128xi32, #tpu.memory_space<vmem>>
    %dma_start3A_311 = tpu.memref_slice %arg15[%add3A_308] : memref<16384xi32, #tpu.memory_space<vmem_shared>> -> memref<128xi32, #tpu.memory_space<vmem_shared>>
    %dma_start3A_312 = arith.constant 1536 : i32
    %dma_start3A_313 = tpu.memref_slice %arg12[%dma_start3A_312] : memref<2048xi32, #tpu.memory_space<vmem>> -> memref<128xi32, #tpu.memory_space<vmem>>
    %dma_start3A_314 = tpu.memref_slice %arg15[%add3A_308] : memref<16384xi32, #tpu.memory_space<vmem_shared>> -> memref<128xi32, #tpu.memory_space<vmem_shared>>
    tpu.enqueue_dma source(%dma_start3A_314 : memref<128xi32, #tpu.memory_space<vmem_shared>>) target(%dma_start3A_313 : memref<128xi32, #tpu.memory_space<vmem>>) target_semaphore(%arg17 : memref<!tpu.dma_semaphore, #tpu.memory_space<semaphore_mem>>)
    %add3A_315 = arith.constant 12288 : i32
    %add3A_316 = arith.addi %add3A_315, %mul3A_97 : i32
    %dma_start3A_317 = arith.constant 1536 : i32
    %dma_start3A_318 = tpu.memref_slice %arg13[%dma_start3A_317] : memref<2048xf32, #tpu.memory_space<vmem>> -> memref<128xf32, #tpu.memory_space<vmem>>
    %dma_start3A_319 = tpu.memref_slice %arg16[%add3A_316] : memref<16384xf32, #tpu.memory_space<vmem_shared>> -> memref<128xf32, #tpu.memory_space<vmem_shared>>
    %dma_start3A_320 = arith.constant 1536 : i32
    %dma_start3A_321 = tpu.memref_slice %arg13[%dma_start3A_320] : memref<2048xf32, #tpu.memory_space<vmem>> -> memref<128xf32, #tpu.memory_space<vmem>>
    %dma_start3A_322 = tpu.memref_slice %arg16[%add3A_316] : memref<16384xf32, #tpu.memory_space<vmem_shared>> -> memref<128xf32, #tpu.memory_space<vmem_shared>>
    tpu.enqueue_dma source(%dma_start3A_322 : memref<128xf32, #tpu.memory_space<vmem_shared>>) target(%dma_start3A_321 : memref<128xf32, #tpu.memory_space<vmem>>) target_semaphore(%arg17 : memref<!tpu.dma_semaphore, #tpu.memory_space<semaphore_mem>>)
    %add3A_323 = arith.constant 13312 : i32
    %add3A_324 = arith.addi %add3A_323, %mul3A_97 : i32
    %dma_start3A_325 = arith.constant 1664 : i32
    %dma_start3A_326 = tpu.memref_slice %arg12[%dma_start3A_325] : memref<2048xi32, #tpu.memory_space<vmem>> -> memref<128xi32, #tpu.memory_space<vmem>>
    %dma_start3A_327 = tpu.memref_slice %arg15[%add3A_324] : memref<16384xi32, #tpu.memory_space<vmem_shared>> -> memref<128xi32, #tpu.memory_space<vmem_shared>>
    %dma_start3A_328 = arith.constant 1664 : i32
    %dma_start3A_329 = tpu.memref_slice %arg12[%dma_start3A_328] : memref<2048xi32, #tpu.memory_space<vmem>> -> memref<128xi32, #tpu.memory_space<vmem>>
    %dma_start3A_330 = tpu.memref_slice %arg15[%add3A_324] : memref<16384xi32, #tpu.memory_space<vmem_shared>> -> memref<128xi32, #tpu.memory_space<vmem_shared>>
    tpu.enqueue_dma source(%dma_start3A_330 : memref<128xi32, #tpu.memory_space<vmem_shared>>) target(%dma_start3A_329 : memref<128xi32, #tpu.memory_space<vmem>>) target_semaphore(%arg17 : memref<!tpu.dma_semaphore, #tpu.memory_space<semaphore_mem>>)
    %add3A_331 = arith.constant 13312 : i32
    %add3A_332 = arith.addi %add3A_331, %mul3A_97 : i32
    %dma_start3A_333 = arith.constant 1664 : i32
    %dma_start3A_334 = tpu.memref_slice %arg13[%dma_start3A_333] : memref<2048xf32, #tpu.memory_space<vmem>> -> memref<128xf32, #tpu.memory_space<vmem>>
    %dma_start3A_335 = tpu.memref_slice %arg16[%add3A_332] : memref<16384xf32, #tpu.memory_space<vmem_shared>> -> memref<128xf32, #tpu.memory_space<vmem_shared>>
    %dma_start3A_336 = arith.constant 1664 : i32
    %dma_start3A_337 = tpu.memref_slice %arg13[%dma_start3A_336] : memref<2048xf32, #tpu.memory_space<vmem>> -> memref<128xf32, #tpu.memory_space<vmem>>
    %dma_start3A_338 = tpu.memref_slice %arg16[%add3A_332] : memref<16384xf32, #tpu.memory_space<vmem_shared>> -> memref<128xf32, #tpu.memory_space<vmem_shared>>
    tpu.enqueue_dma source(%dma_start3A_338 : memref<128xf32, #tpu.memory_space<vmem_shared>>) target(%dma_start3A_337 : memref<128xf32, #tpu.memory_space<vmem>>) target_semaphore(%arg17 : memref<!tpu.dma_semaphore, #tpu.memory_space<semaphore_mem>>)
    %add3A_339 = arith.constant 14336 : i32
    %add3A_340 = arith.addi %add3A_339, %mul3A_97 : i32
    %dma_start3A_341 = arith.constant 1792 : i32
    %dma_start3A_342 = tpu.memref_slice %arg12[%dma_start3A_341] : memref<2048xi32, #tpu.memory_space<vmem>> -> memref<128xi32, #tpu.memory_space<vmem>>
    %dma_start3A_343 = tpu.memref_slice %arg15[%add3A_340] : memref<16384xi32, #tpu.memory_space<vmem_shared>> -> memref<128xi32, #tpu.memory_space<vmem_shared>>
    %dma_start3A_344 = arith.constant 1792 : i32
    %dma_start3A_345 = tpu.memref_slice %arg12[%dma_start3A_344] : memref<2048xi32, #tpu.memory_space<vmem>> -> memref<128xi32, #tpu.memory_space<vmem>>
    %dma_start3A_346 = tpu.memref_slice %arg15[%add3A_340] : memref<16384xi32, #tpu.memory_space<vmem_shared>> -> memref<128xi32, #tpu.memory_space<vmem_shared>>
    tpu.enqueue_dma source(%dma_start3A_346 : memref<128xi32, #tpu.memory_space<vmem_shared>>) target(%dma_start3A_345 : memref<128xi32, #tpu.memory_space<vmem>>) target_semaphore(%arg17 : memref<!tpu.dma_semaphore, #tpu.memory_space<semaphore_mem>>)
    %add3A_347 = arith.constant 14336 : i32
    %add3A_348 = arith.addi %add3A_347, %mul3A_97 : i32
    %dma_start3A_349 = arith.constant 1792 : i32
    %dma_start3A_350 = tpu.memref_slice %arg13[%dma_start3A_349] : memref<2048xf32, #tpu.memory_space<vmem>> -> memref<128xf32, #tpu.memory_space<vmem>>
    %dma_start3A_351 = tpu.memref_slice %arg16[%add3A_348] : memref<16384xf32, #tpu.memory_space<vmem_shared>> -> memref<128xf32, #tpu.memory_space<vmem_shared>>
    %dma_start3A_352 = arith.constant 1792 : i32
    %dma_start3A_353 = tpu.memref_slice %arg13[%dma_start3A_352] : memref<2048xf32, #tpu.memory_space<vmem>> -> memref<128xf32, #tpu.memory_space<vmem>>
    %dma_start3A_354 = tpu.memref_slice %arg16[%add3A_348] : memref<16384xf32, #tpu.memory_space<vmem_shared>> -> memref<128xf32, #tpu.memory_space<vmem_shared>>
    tpu.enqueue_dma source(%dma_start3A_354 : memref<128xf32, #tpu.memory_space<vmem_shared>>) target(%dma_start3A_353 : memref<128xf32, #tpu.memory_space<vmem>>) target_semaphore(%arg17 : memref<!tpu.dma_semaphore, #tpu.memory_space<semaphore_mem>>)
    %add3A_355 = arith.constant 15360 : i32
    %add3A_356 = arith.addi %add3A_355, %mul3A_97 : i32
    %dma_start3A_357 = arith.constant 1920 : i32
    %dma_start3A_358 = tpu.memref_slice %arg12[%dma_start3A_357] : memref<2048xi32, #tpu.memory_space<vmem>> -> memref<128xi32, #tpu.memory_space<vmem>>
    %dma_start3A_359 = tpu.memref_slice %arg15[%add3A_356] : memref<16384xi32, #tpu.memory_space<vmem_shared>> -> memref<128xi32, #tpu.memory_space<vmem_shared>>
    %dma_start3A_360 = arith.constant 1920 : i32
    %dma_start3A_361 = tpu.memref_slice %arg12[%dma_start3A_360] : memref<2048xi32, #tpu.memory_space<vmem>> -> memref<128xi32, #tpu.memory_space<vmem>>
    %dma_start3A_362 = tpu.memref_slice %arg15[%add3A_356] : memref<16384xi32, #tpu.memory_space<vmem_shared>> -> memref<128xi32, #tpu.memory_space<vmem_shared>>
    tpu.enqueue_dma source(%dma_start3A_362 : memref<128xi32, #tpu.memory_space<vmem_shared>>) target(%dma_start3A_361 : memref<128xi32, #tpu.memory_space<vmem>>) target_semaphore(%arg17 : memref<!tpu.dma_semaphore, #tpu.memory_space<semaphore_mem>>)
    %add3A_363 = arith.constant 15360 : i32
    %add3A_364 = arith.addi %add3A_363, %mul3A_97 : i32
    %dma_start3A_365 = arith.constant 1920 : i32
    %dma_start3A_366 = tpu.memref_slice %arg13[%dma_start3A_365] : memref<2048xf32, #tpu.memory_space<vmem>> -> memref<128xf32, #tpu.memory_space<vmem>>
    %dma_start3A_367 = tpu.memref_slice %arg16[%add3A_364] : memref<16384xf32, #tpu.memory_space<vmem_shared>> -> memref<128xf32, #tpu.memory_space<vmem_shared>>
    %dma_start3A_368 = arith.constant 1920 : i32
    %dma_start3A_369 = tpu.memref_slice %arg13[%dma_start3A_368] : memref<2048xf32, #tpu.memory_space<vmem>> -> memref<128xf32, #tpu.memory_space<vmem>>
    %dma_start3A_370 = tpu.memref_slice %arg16[%add3A_364] : memref<16384xf32, #tpu.memory_space<vmem_shared>> -> memref<128xf32, #tpu.memory_space<vmem_shared>>
    tpu.enqueue_dma source(%dma_start3A_370 : memref<128xf32, #tpu.memory_space<vmem_shared>>) target(%dma_start3A_369 : memref<128xf32, #tpu.memory_space<vmem>>) target_semaphore(%arg17 : memref<!tpu.dma_semaphore, #tpu.memory_space<semaphore_mem>>)
    %dma_wait3A_371 = arith.constant 0 : i32
    %dma_wait3A_372 = tpu.memref_slice %arg12[%dma_wait3A_371] : memref<2048xi32, #tpu.memory_space<vmem>> -> memref<128xi32, #tpu.memory_space<vmem>>
    %dma_wait3A_373 = tpu.memref_slice %arg15[%add3A_116] : memref<16384xi32, #tpu.memory_space<vmem_shared>> -> memref<128xi32, #tpu.memory_space<vmem_shared>>
    %dma_wait3A_374 = arith.constant 0 : i32
    %dma_wait3A_375 = tpu.memref_slice %arg12[%dma_wait3A_374] : memref<2048xi32, #tpu.memory_space<vmem>> -> memref<128xi32, #tpu.memory_space<vmem>>
    %dma_wait3A_376 = tpu.memref_slice %arg15[%add3A_116] : memref<16384xi32, #tpu.memory_space<vmem_shared>> -> memref<128xi32, #tpu.memory_space<vmem_shared>>
    tpu.wait_dma2 semaphore(%arg17 : memref<!tpu.dma_semaphore, #tpu.memory_space<semaphore_mem>>) src(%dma_wait3A_376 : memref<128xi32, #tpu.memory_space<vmem_shared>>) dst(%dma_wait3A_375 : memref<128xi32, #tpu.memory_space<vmem>>)
    %dma_wait3A_377 = arith.constant 0 : i32
    %dma_wait3A_378 = tpu.memref_slice %arg13[%dma_wait3A_377] : memref<2048xf32, #tpu.memory_space<vmem>> -> memref<128xf32, #tpu.memory_space<vmem>>
    %dma_wait3A_379 = tpu.memref_slice %arg16[%add3A_124] : memref<16384xf32, #tpu.memory_space<vmem_shared>> -> memref<128xf32, #tpu.memory_space<vmem_shared>>
    %dma_wait3A_380 = arith.constant 0 : i32
    %dma_wait3A_381 = tpu.memref_slice %arg13[%dma_wait3A_380] : memref<2048xf32, #tpu.memory_space<vmem>> -> memref<128xf32, #tpu.memory_space<vmem>>
    %dma_wait3A_382 = tpu.memref_slice %arg16[%add3A_124] : memref<16384xf32, #tpu.memory_space<vmem_shared>> -> memref<128xf32, #tpu.memory_space<vmem_shared>>
    tpu.wait_dma2 semaphore(%arg17 : memref<!tpu.dma_semaphore, #tpu.memory_space<semaphore_mem>>) src(%dma_wait3A_382 : memref<128xf32, #tpu.memory_space<vmem_shared>>) dst(%dma_wait3A_381 : memref<128xf32, #tpu.memory_space<vmem>>)
    %dma_wait3A_383 = arith.constant 128 : i32
    %dma_wait3A_384 = tpu.memref_slice %arg12[%dma_wait3A_383] : memref<2048xi32, #tpu.memory_space<vmem>> -> memref<128xi32, #tpu.memory_space<vmem>>
    %dma_wait3A_385 = tpu.memref_slice %arg15[%add3A_132] : memref<16384xi32, #tpu.memory_space<vmem_shared>> -> memref<128xi32, #tpu.memory_space<vmem_shared>>
    %dma_wait3A_386 = arith.constant 128 : i32
    %dma_wait3A_387 = tpu.memref_slice %arg12[%dma_wait3A_386] : memref<2048xi32, #tpu.memory_space<vmem>> -> memref<128xi32, #tpu.memory_space<vmem>>
    %dma_wait3A_388 = tpu.memref_slice %arg15[%add3A_132] : memref<16384xi32, #tpu.memory_space<vmem_shared>> -> memref<128xi32, #tpu.memory_space<vmem_shared>>
    tpu.wait_dma2 semaphore(%arg17 : memref<!tpu.dma_semaphore, #tpu.memory_space<semaphore_mem>>) src(%dma_wait3A_388 : memref<128xi32, #tpu.memory_space<vmem_shared>>) dst(%dma_wait3A_387 : memref<128xi32, #tpu.memory_space<vmem>>)
    %dma_wait3A_389 = arith.constant 128 : i32
    %dma_wait3A_390 = tpu.memref_slice %arg13[%dma_wait3A_389] : memref<2048xf32, #tpu.memory_space<vmem>> -> memref<128xf32, #tpu.memory_space<vmem>>
    %dma_wait3A_391 = tpu.memref_slice %arg16[%add3A_140] : memref<16384xf32, #tpu.memory_space<vmem_shared>> -> memref<128xf32, #tpu.memory_space<vmem_shared>>
    %dma_wait3A_392 = arith.constant 128 : i32
    %dma_wait3A_393 = tpu.memref_slice %arg13[%dma_wait3A_392] : memref<2048xf32, #tpu.memory_space<vmem>> -> memref<128xf32, #tpu.memory_space<vmem>>
    %dma_wait3A_394 = tpu.memref_slice %arg16[%add3A_140] : memref<16384xf32, #tpu.memory_space<vmem_shared>> -> memref<128xf32, #tpu.memory_space<vmem_shared>>
    tpu.wait_dma2 semaphore(%arg17 : memref<!tpu.dma_semaphore, #tpu.memory_space<semaphore_mem>>) src(%dma_wait3A_394 : memref<128xf32, #tpu.memory_space<vmem_shared>>) dst(%dma_wait3A_393 : memref<128xf32, #tpu.memory_space<vmem>>)
    %dma_wait3A_395 = arith.constant 256 : i32
    %dma_wait3A_396 = tpu.memref_slice %arg12[%dma_wait3A_395] : memref<2048xi32, #tpu.memory_space<vmem>> -> memref<128xi32, #tpu.memory_space<vmem>>
    %dma_wait3A_397 = tpu.memref_slice %arg15[%add3A_148] : memref<16384xi32, #tpu.memory_space<vmem_shared>> -> memref<128xi32, #tpu.memory_space<vmem_shared>>
    %dma_wait3A_398 = arith.constant 256 : i32
    %dma_wait3A_399 = tpu.memref_slice %arg12[%dma_wait3A_398] : memref<2048xi32, #tpu.memory_space<vmem>> -> memref<128xi32, #tpu.memory_space<vmem>>
    %dma_wait3A_400 = tpu.memref_slice %arg15[%add3A_148] : memref<16384xi32, #tpu.memory_space<vmem_shared>> -> memref<128xi32, #tpu.memory_space<vmem_shared>>
    tpu.wait_dma2 semaphore(%arg17 : memref<!tpu.dma_semaphore, #tpu.memory_space<semaphore_mem>>) src(%dma_wait3A_400 : memref<128xi32, #tpu.memory_space<vmem_shared>>) dst(%dma_wait3A_399 : memref<128xi32, #tpu.memory_space<vmem>>)
    %dma_wait3A_401 = arith.constant 256 : i32
    %dma_wait3A_402 = tpu.memref_slice %arg13[%dma_wait3A_401] : memref<2048xf32, #tpu.memory_space<vmem>> -> memref<128xf32, #tpu.memory_space<vmem>>
    %dma_wait3A_403 = tpu.memref_slice %arg16[%add3A_156] : memref<16384xf32, #tpu.memory_space<vmem_shared>> -> memref<128xf32, #tpu.memory_space<vmem_shared>>
    %dma_wait3A_404 = arith.constant 256 : i32
    %dma_wait3A_405 = tpu.memref_slice %arg13[%dma_wait3A_404] : memref<2048xf32, #tpu.memory_space<vmem>> -> memref<128xf32, #tpu.memory_space<vmem>>
    %dma_wait3A_406 = tpu.memref_slice %arg16[%add3A_156] : memref<16384xf32, #tpu.memory_space<vmem_shared>> -> memref<128xf32, #tpu.memory_space<vmem_shared>>
    tpu.wait_dma2 semaphore(%arg17 : memref<!tpu.dma_semaphore, #tpu.memory_space<semaphore_mem>>) src(%dma_wait3A_406 : memref<128xf32, #tpu.memory_space<vmem_shared>>) dst(%dma_wait3A_405 : memref<128xf32, #tpu.memory_space<vmem>>)
    %dma_wait3A_407 = arith.constant 384 : i32
    %dma_wait3A_408 = tpu.memref_slice %arg12[%dma_wait3A_407] : memref<2048xi32, #tpu.memory_space<vmem>> -> memref<128xi32, #tpu.memory_space<vmem>>
    %dma_wait3A_409 = tpu.memref_slice %arg15[%add3A_164] : memref<16384xi32, #tpu.memory_space<vmem_shared>> -> memref<128xi32, #tpu.memory_space<vmem_shared>>
    %dma_wait3A_410 = arith.constant 384 : i32
    %dma_wait3A_411 = tpu.memref_slice %arg12[%dma_wait3A_410] : memref<2048xi32, #tpu.memory_space<vmem>> -> memref<128xi32, #tpu.memory_space<vmem>>
    %dma_wait3A_412 = tpu.memref_slice %arg15[%add3A_164] : memref<16384xi32, #tpu.memory_space<vmem_shared>> -> memref<128xi32, #tpu.memory_space<vmem_shared>>
    tpu.wait_dma2 semaphore(%arg17 : memref<!tpu.dma_semaphore, #tpu.memory_space<semaphore_mem>>) src(%dma_wait3A_412 : memref<128xi32, #tpu.memory_space<vmem_shared>>) dst(%dma_wait3A_411 : memref<128xi32, #tpu.memory_space<vmem>>)
    %dma_wait3A_413 = arith.constant 384 : i32
    %dma_wait3A_414 = tpu.memref_slice %arg13[%dma_wait3A_413] : memref<2048xf32, #tpu.memory_space<vmem>> -> memref<128xf32, #tpu.memory_space<vmem>>
    %dma_wait3A_415 = tpu.memref_slice %arg16[%add3A_172] : memref<16384xf32, #tpu.memory_space<vmem_shared>> -> memref<128xf32, #tpu.memory_space<vmem_shared>>
    %dma_wait3A_416 = arith.constant 384 : i32
    %dma_wait3A_417 = tpu.memref_slice %arg13[%dma_wait3A_416] : memref<2048xf32, #tpu.memory_space<vmem>> -> memref<128xf32, #tpu.memory_space<vmem>>
    %dma_wait3A_418 = tpu.memref_slice %arg16[%add3A_172] : memref<16384xf32, #tpu.memory_space<vmem_shared>> -> memref<128xf32, #tpu.memory_space<vmem_shared>>
    tpu.wait_dma2 semaphore(%arg17 : memref<!tpu.dma_semaphore, #tpu.memory_space<semaphore_mem>>) src(%dma_wait3A_418 : memref<128xf32, #tpu.memory_space<vmem_shared>>) dst(%dma_wait3A_417 : memref<128xf32, #tpu.memory_space<vmem>>)
    %dma_wait3A_419 = arith.constant 512 : i32
    %dma_wait3A_420 = tpu.memref_slice %arg12[%dma_wait3A_419] : memref<2048xi32, #tpu.memory_space<vmem>> -> memref<128xi32, #tpu.memory_space<vmem>>
    %dma_wait3A_421 = tpu.memref_slice %arg15[%add3A_180] : memref<16384xi32, #tpu.memory_space<vmem_shared>> -> memref<128xi32, #tpu.memory_space<vmem_shared>>
    %dma_wait3A_422 = arith.constant 512 : i32
    %dma_wait3A_423 = tpu.memref_slice %arg12[%dma_wait3A_422] : memref<2048xi32, #tpu.memory_space<vmem>> -> memref<128xi32, #tpu.memory_space<vmem>>
    %dma_wait3A_424 = tpu.memref_slice %arg15[%add3A_180] : memref<16384xi32, #tpu.memory_space<vmem_shared>> -> memref<128xi32, #tpu.memory_space<vmem_shared>>
    tpu.wait_dma2 semaphore(%arg17 : memref<!tpu.dma_semaphore, #tpu.memory_space<semaphore_mem>>) src(%dma_wait3A_424 : memref<128xi32, #tpu.memory_space<vmem_shared>>) dst(%dma_wait3A_423 : memref<128xi32, #tpu.memory_space<vmem>>)
    %dma_wait3A_425 = arith.constant 512 : i32
    %dma_wait3A_426 = tpu.memref_slice %arg13[%dma_wait3A_425] : memref<2048xf32, #tpu.memory_space<vmem>> -> memref<128xf32, #tpu.memory_space<vmem>>
    %dma_wait3A_427 = tpu.memref_slice %arg16[%add3A_188] : memref<16384xf32, #tpu.memory_space<vmem_shared>> -> memref<128xf32, #tpu.memory_space<vmem_shared>>
    %dma_wait3A_428 = arith.constant 512 : i32
    %dma_wait3A_429 = tpu.memref_slice %arg13[%dma_wait3A_428] : memref<2048xf32, #tpu.memory_space<vmem>> -> memref<128xf32, #tpu.memory_space<vmem>>
    %dma_wait3A_430 = tpu.memref_slice %arg16[%add3A_188] : memref<16384xf32, #tpu.memory_space<vmem_shared>> -> memref<128xf32, #tpu.memory_space<vmem_shared>>
    tpu.wait_dma2 semaphore(%arg17 : memref<!tpu.dma_semaphore, #tpu.memory_space<semaphore_mem>>) src(%dma_wait3A_430 : memref<128xf32, #tpu.memory_space<vmem_shared>>) dst(%dma_wait3A_429 : memref<128xf32, #tpu.memory_space<vmem>>)
    %dma_wait3A_431 = arith.constant 640 : i32
    %dma_wait3A_432 = tpu.memref_slice %arg12[%dma_wait3A_431] : memref<2048xi32, #tpu.memory_space<vmem>> -> memref<128xi32, #tpu.memory_space<vmem>>
    %dma_wait3A_433 = tpu.memref_slice %arg15[%add3A_196] : memref<16384xi32, #tpu.memory_space<vmem_shared>> -> memref<128xi32, #tpu.memory_space<vmem_shared>>
    %dma_wait3A_434 = arith.constant 640 : i32
    %dma_wait3A_435 = tpu.memref_slice %arg12[%dma_wait3A_434] : memref<2048xi32, #tpu.memory_space<vmem>> -> memref<128xi32, #tpu.memory_space<vmem>>
    %dma_wait3A_436 = tpu.memref_slice %arg15[%add3A_196] : memref<16384xi32, #tpu.memory_space<vmem_shared>> -> memref<128xi32, #tpu.memory_space<vmem_shared>>
    tpu.wait_dma2 semaphore(%arg17 : memref<!tpu.dma_semaphore, #tpu.memory_space<semaphore_mem>>) src(%dma_wait3A_436 : memref<128xi32, #tpu.memory_space<vmem_shared>>) dst(%dma_wait3A_435 : memref<128xi32, #tpu.memory_space<vmem>>)
    %dma_wait3A_437 = arith.constant 640 : i32
    %dma_wait3A_438 = tpu.memref_slice %arg13[%dma_wait3A_437] : memref<2048xf32, #tpu.memory_space<vmem>> -> memref<128xf32, #tpu.memory_space<vmem>>
    %dma_wait3A_439 = tpu.memref_slice %arg16[%add3A_204] : memref<16384xf32, #tpu.memory_space<vmem_shared>> -> memref<128xf32, #tpu.memory_space<vmem_shared>>
    %dma_wait3A_440 = arith.constant 640 : i32
    %dma_wait3A_441 = tpu.memref_slice %arg13[%dma_wait3A_440] : memref<2048xf32, #tpu.memory_space<vmem>> -> memref<128xf32, #tpu.memory_space<vmem>>
    %dma_wait3A_442 = tpu.memref_slice %arg16[%add3A_204] : memref<16384xf32, #tpu.memory_space<vmem_shared>> -> memref<128xf32, #tpu.memory_space<vmem_shared>>
    tpu.wait_dma2 semaphore(%arg17 : memref<!tpu.dma_semaphore, #tpu.memory_space<semaphore_mem>>) src(%dma_wait3A_442 : memref<128xf32, #tpu.memory_space<vmem_shared>>) dst(%dma_wait3A_441 : memref<128xf32, #tpu.memory_space<vmem>>)
    %dma_wait3A_443 = arith.constant 768 : i32
    %dma_wait3A_444 = tpu.memref_slice %arg12[%dma_wait3A_443] : memref<2048xi32, #tpu.memory_space<vmem>> -> memref<128xi32, #tpu.memory_space<vmem>>
    %dma_wait3A_445 = tpu.memref_slice %arg15[%add3A_212] : memref<16384xi32, #tpu.memory_space<vmem_shared>> -> memref<128xi32, #tpu.memory_space<vmem_shared>>
    %dma_wait3A_446 = arith.constant 768 : i32
    %dma_wait3A_447 = tpu.memref_slice %arg12[%dma_wait3A_446] : memref<2048xi32, #tpu.memory_space<vmem>> -> memref<128xi32, #tpu.memory_space<vmem>>
    %dma_wait3A_448 = tpu.memref_slice %arg15[%add3A_212] : memref<16384xi32, #tpu.memory_space<vmem_shared>> -> memref<128xi32, #tpu.memory_space<vmem_shared>>
    tpu.wait_dma2 semaphore(%arg17 : memref<!tpu.dma_semaphore, #tpu.memory_space<semaphore_mem>>) src(%dma_wait3A_448 : memref<128xi32, #tpu.memory_space<vmem_shared>>) dst(%dma_wait3A_447 : memref<128xi32, #tpu.memory_space<vmem>>)
    %dma_wait3A_449 = arith.constant 768 : i32
    %dma_wait3A_450 = tpu.memref_slice %arg13[%dma_wait3A_449] : memref<2048xf32, #tpu.memory_space<vmem>> -> memref<128xf32, #tpu.memory_space<vmem>>
    %dma_wait3A_451 = tpu.memref_slice %arg16[%add3A_220] : memref<16384xf32, #tpu.memory_space<vmem_shared>> -> memref<128xf32, #tpu.memory_space<vmem_shared>>
    %dma_wait3A_452 = arith.constant 768 : i32
    %dma_wait3A_453 = tpu.memref_slice %arg13[%dma_wait3A_452] : memref<2048xf32, #tpu.memory_space<vmem>> -> memref<128xf32, #tpu.memory_space<vmem>>
    %dma_wait3A_454 = tpu.memref_slice %arg16[%add3A_220] : memref<16384xf32, #tpu.memory_space<vmem_shared>> -> memref<128xf32, #tpu.memory_space<vmem_shared>>
    tpu.wait_dma2 semaphore(%arg17 : memref<!tpu.dma_semaphore, #tpu.memory_space<semaphore_mem>>) src(%dma_wait3A_454 : memref<128xf32, #tpu.memory_space<vmem_shared>>) dst(%dma_wait3A_453 : memref<128xf32, #tpu.memory_space<vmem>>)
    %dma_wait3A_455 = arith.constant 896 : i32
    %dma_wait3A_456 = tpu.memref_slice %arg12[%dma_wait3A_455] : memref<2048xi32, #tpu.memory_space<vmem>> -> memref<128xi32, #tpu.memory_space<vmem>>
    %dma_wait3A_457 = tpu.memref_slice %arg15[%add3A_228] : memref<16384xi32, #tpu.memory_space<vmem_shared>> -> memref<128xi32, #tpu.memory_space<vmem_shared>>
    %dma_wait3A_458 = arith.constant 896 : i32
    %dma_wait3A_459 = tpu.memref_slice %arg12[%dma_wait3A_458] : memref<2048xi32, #tpu.memory_space<vmem>> -> memref<128xi32, #tpu.memory_space<vmem>>
    %dma_wait3A_460 = tpu.memref_slice %arg15[%add3A_228] : memref<16384xi32, #tpu.memory_space<vmem_shared>> -> memref<128xi32, #tpu.memory_space<vmem_shared>>
    tpu.wait_dma2 semaphore(%arg17 : memref<!tpu.dma_semaphore, #tpu.memory_space<semaphore_mem>>) src(%dma_wait3A_460 : memref<128xi32, #tpu.memory_space<vmem_shared>>) dst(%dma_wait3A_459 : memref<128xi32, #tpu.memory_space<vmem>>)
    %dma_wait3A_461 = arith.constant 896 : i32
    %dma_wait3A_462 = tpu.memref_slice %arg13[%dma_wait3A_461] : memref<2048xf32, #tpu.memory_space<vmem>> -> memref<128xf32, #tpu.memory_space<vmem>>
    %dma_wait3A_463 = tpu.memref_slice %arg16[%add3A_236] : memref<16384xf32, #tpu.memory_space<vmem_shared>> -> memref<128xf32, #tpu.memory_space<vmem_shared>>
    %dma_wait3A_464 = arith.constant 896 : i32
    %dma_wait3A_465 = tpu.memref_slice %arg13[%dma_wait3A_464] : memref<2048xf32, #tpu.memory_space<vmem>> -> memref<128xf32, #tpu.memory_space<vmem>>
    %dma_wait3A_466 = tpu.memref_slice %arg16[%add3A_236] : memref<16384xf32, #tpu.memory_space<vmem_shared>> -> memref<128xf32, #tpu.memory_space<vmem_shared>>
    tpu.wait_dma2 semaphore(%arg17 : memref<!tpu.dma_semaphore, #tpu.memory_space<semaphore_mem>>) src(%dma_wait3A_466 : memref<128xf32, #tpu.memory_space<vmem_shared>>) dst(%dma_wait3A_465 : memref<128xf32, #tpu.memory_space<vmem>>)
    %dma_wait3A_467 = arith.constant 1024 : i32
    %dma_wait3A_468 = tpu.memref_slice %arg12[%dma_wait3A_467] : memref<2048xi32, #tpu.memory_space<vmem>> -> memref<128xi32, #tpu.memory_space<vmem>>
    %dma_wait3A_469 = tpu.memref_slice %arg15[%add3A_244] : memref<16384xi32, #tpu.memory_space<vmem_shared>> -> memref<128xi32, #tpu.memory_space<vmem_shared>>
    %dma_wait3A_470 = arith.constant 1024 : i32
    %dma_wait3A_471 = tpu.memref_slice %arg12[%dma_wait3A_470] : memref<2048xi32, #tpu.memory_space<vmem>> -> memref<128xi32, #tpu.memory_space<vmem>>
    %dma_wait3A_472 = tpu.memref_slice %arg15[%add3A_244] : memref<16384xi32, #tpu.memory_space<vmem_shared>> -> memref<128xi32, #tpu.memory_space<vmem_shared>>
    tpu.wait_dma2 semaphore(%arg17 : memref<!tpu.dma_semaphore, #tpu.memory_space<semaphore_mem>>) src(%dma_wait3A_472 : memref<128xi32, #tpu.memory_space<vmem_shared>>) dst(%dma_wait3A_471 : memref<128xi32, #tpu.memory_space<vmem>>)
    %dma_wait3A_473 = arith.constant 1024 : i32
    %dma_wait3A_474 = tpu.memref_slice %arg13[%dma_wait3A_473] : memref<2048xf32, #tpu.memory_space<vmem>> -> memref<128xf32, #tpu.memory_space<vmem>>
    %dma_wait3A_475 = tpu.memref_slice %arg16[%add3A_252] : memref<16384xf32, #tpu.memory_space<vmem_shared>> -> memref<128xf32, #tpu.memory_space<vmem_shared>>
    %dma_wait3A_476 = arith.constant 1024 : i32
    %dma_wait3A_477 = tpu.memref_slice %arg13[%dma_wait3A_476] : memref<2048xf32, #tpu.memory_space<vmem>> -> memref<128xf32, #tpu.memory_space<vmem>>
    %dma_wait3A_478 = tpu.memref_slice %arg16[%add3A_252] : memref<16384xf32, #tpu.memory_space<vmem_shared>> -> memref<128xf32, #tpu.memory_space<vmem_shared>>
    tpu.wait_dma2 semaphore(%arg17 : memref<!tpu.dma_semaphore, #tpu.memory_space<semaphore_mem>>) src(%dma_wait3A_478 : memref<128xf32, #tpu.memory_space<vmem_shared>>) dst(%dma_wait3A_477 : memref<128xf32, #tpu.memory_space<vmem>>)
    %dma_wait3A_479 = arith.constant 1152 : i32
    %dma_wait3A_480 = tpu.memref_slice %arg12[%dma_wait3A_479] : memref<2048xi32, #tpu.memory_space<vmem>> -> memref<128xi32, #tpu.memory_space<vmem>>
    %dma_wait3A_481 = tpu.memref_slice %arg15[%add3A_260] : memref<16384xi32, #tpu.memory_space<vmem_shared>> -> memref<128xi32, #tpu.memory_space<vmem_shared>>
    %dma_wait3A_482 = arith.constant 1152 : i32
    %dma_wait3A_483 = tpu.memref_slice %arg12[%dma_wait3A_482] : memref<2048xi32, #tpu.memory_space<vmem>> -> memref<128xi32, #tpu.memory_space<vmem>>
    %dma_wait3A_484 = tpu.memref_slice %arg15[%add3A_260] : memref<16384xi32, #tpu.memory_space<vmem_shared>> -> memref<128xi32, #tpu.memory_space<vmem_shared>>
    tpu.wait_dma2 semaphore(%arg17 : memref<!tpu.dma_semaphore, #tpu.memory_space<semaphore_mem>>) src(%dma_wait3A_484 : memref<128xi32, #tpu.memory_space<vmem_shared>>) dst(%dma_wait3A_483 : memref<128xi32, #tpu.memory_space<vmem>>)
    %dma_wait3A_485 = arith.constant 1152 : i32
    %dma_wait3A_486 = tpu.memref_slice %arg13[%dma_wait3A_485] : memref<2048xf32, #tpu.memory_space<vmem>> -> memref<128xf32, #tpu.memory_space<vmem>>
    %dma_wait3A_487 = tpu.memref_slice %arg16[%add3A_268] : memref<16384xf32, #tpu.memory_space<vmem_shared>> -> memref<128xf32, #tpu.memory_space<vmem_shared>>
    %dma_wait3A_488 = arith.constant 1152 : i32
    %dma_wait3A_489 = tpu.memref_slice %arg13[%dma_wait3A_488] : memref<2048xf32, #tpu.memory_space<vmem>> -> memref<128xf32, #tpu.memory_space<vmem>>
    %dma_wait3A_490 = tpu.memref_slice %arg16[%add3A_268] : memref<16384xf32, #tpu.memory_space<vmem_shared>> -> memref<128xf32, #tpu.memory_space<vmem_shared>>
    tpu.wait_dma2 semaphore(%arg17 : memref<!tpu.dma_semaphore, #tpu.memory_space<semaphore_mem>>) src(%dma_wait3A_490 : memref<128xf32, #tpu.memory_space<vmem_shared>>) dst(%dma_wait3A_489 : memref<128xf32, #tpu.memory_space<vmem>>)
    %dma_wait3A_491 = arith.constant 1280 : i32
    %dma_wait3A_492 = tpu.memref_slice %arg12[%dma_wait3A_491] : memref<2048xi32, #tpu.memory_space<vmem>> -> memref<128xi32, #tpu.memory_space<vmem>>
    %dma_wait3A_493 = tpu.memref_slice %arg15[%add3A_276] : memref<16384xi32, #tpu.memory_space<vmem_shared>> -> memref<128xi32, #tpu.memory_space<vmem_shared>>
    %dma_wait3A_494 = arith.constant 1280 : i32
    %dma_wait3A_495 = tpu.memref_slice %arg12[%dma_wait3A_494] : memref<2048xi32, #tpu.memory_space<vmem>> -> memref<128xi32, #tpu.memory_space<vmem>>
    %dma_wait3A_496 = tpu.memref_slice %arg15[%add3A_276] : memref<16384xi32, #tpu.memory_space<vmem_shared>> -> memref<128xi32, #tpu.memory_space<vmem_shared>>
    tpu.wait_dma2 semaphore(%arg17 : memref<!tpu.dma_semaphore, #tpu.memory_space<semaphore_mem>>) src(%dma_wait3A_496 : memref<128xi32, #tpu.memory_space<vmem_shared>>) dst(%dma_wait3A_495 : memref<128xi32, #tpu.memory_space<vmem>>)
    %dma_wait3A_497 = arith.constant 1280 : i32
    %dma_wait3A_498 = tpu.memref_slice %arg13[%dma_wait3A_497] : memref<2048xf32, #tpu.memory_space<vmem>> -> memref<128xf32, #tpu.memory_space<vmem>>
    %dma_wait3A_499 = tpu.memref_slice %arg16[%add3A_284] : memref<16384xf32, #tpu.memory_space<vmem_shared>> -> memref<128xf32, #tpu.memory_space<vmem_shared>>
    %dma_wait3A_500 = arith.constant 1280 : i32
    %dma_wait3A_501 = tpu.memref_slice %arg13[%dma_wait3A_500] : memref<2048xf32, #tpu.memory_space<vmem>> -> memref<128xf32, #tpu.memory_space<vmem>>
    %dma_wait3A_502 = tpu.memref_slice %arg16[%add3A_284] : memref<16384xf32, #tpu.memory_space<vmem_shared>> -> memref<128xf32, #tpu.memory_space<vmem_shared>>
    tpu.wait_dma2 semaphore(%arg17 : memref<!tpu.dma_semaphore, #tpu.memory_space<semaphore_mem>>) src(%dma_wait3A_502 : memref<128xf32, #tpu.memory_space<vmem_shared>>) dst(%dma_wait3A_501 : memref<128xf32, #tpu.memory_space<vmem>>)
    %dma_wait3A_503 = arith.constant 1408 : i32
    %dma_wait3A_504 = tpu.memref_slice %arg12[%dma_wait3A_503] : memref<2048xi32, #tpu.memory_space<vmem>> -> memref<128xi32, #tpu.memory_space<vmem>>
    %dma_wait3A_505 = tpu.memref_slice %arg15[%add3A_292] : memref<16384xi32, #tpu.memory_space<vmem_shared>> -> memref<128xi32, #tpu.memory_space<vmem_shared>>
    %dma_wait3A_506 = arith.constant 1408 : i32
    %dma_wait3A_507 = tpu.memref_slice %arg12[%dma_wait3A_506] : memref<2048xi32, #tpu.memory_space<vmem>> -> memref<128xi32, #tpu.memory_space<vmem>>
    %dma_wait3A_508 = tpu.memref_slice %arg15[%add3A_292] : memref<16384xi32, #tpu.memory_space<vmem_shared>> -> memref<128xi32, #tpu.memory_space<vmem_shared>>
    tpu.wait_dma2 semaphore(%arg17 : memref<!tpu.dma_semaphore, #tpu.memory_space<semaphore_mem>>) src(%dma_wait3A_508 : memref<128xi32, #tpu.memory_space<vmem_shared>>) dst(%dma_wait3A_507 : memref<128xi32, #tpu.memory_space<vmem>>)
    %dma_wait3A_509 = arith.constant 1408 : i32
    %dma_wait3A_510 = tpu.memref_slice %arg13[%dma_wait3A_509] : memref<2048xf32, #tpu.memory_space<vmem>> -> memref<128xf32, #tpu.memory_space<vmem>>
    %dma_wait3A_511 = tpu.memref_slice %arg16[%add3A_300] : memref<16384xf32, #tpu.memory_space<vmem_shared>> -> memref<128xf32, #tpu.memory_space<vmem_shared>>
    %dma_wait3A_512 = arith.constant 1408 : i32
    %dma_wait3A_513 = tpu.memref_slice %arg13[%dma_wait3A_512] : memref<2048xf32, #tpu.memory_space<vmem>> -> memref<128xf32, #tpu.memory_space<vmem>>
    %dma_wait3A_514 = tpu.memref_slice %arg16[%add3A_300] : memref<16384xf32, #tpu.memory_space<vmem_shared>> -> memref<128xf32, #tpu.memory_space<vmem_shared>>
    tpu.wait_dma2 semaphore(%arg17 : memref<!tpu.dma_semaphore, #tpu.memory_space<semaphore_mem>>) src(%dma_wait3A_514 : memref<128xf32, #tpu.memory_space<vmem_shared>>) dst(%dma_wait3A_513 : memref<128xf32, #tpu.memory_space<vmem>>)
    %dma_wait3A_515 = arith.constant 1536 : i32
    %dma_wait3A_516 = tpu.memref_slice %arg12[%dma_wait3A_515] : memref<2048xi32, #tpu.memory_space<vmem>> -> memref<128xi32, #tpu.memory_space<vmem>>
    %dma_wait3A_517 = tpu.memref_slice %arg15[%add3A_308] : memref<16384xi32, #tpu.memory_space<vmem_shared>> -> memref<128xi32, #tpu.memory_space<vmem_shared>>
    %dma_wait3A_518 = arith.constant 1536 : i32
    %dma_wait3A_519 = tpu.memref_slice %arg12[%dma_wait3A_518] : memref<2048xi32, #tpu.memory_space<vmem>> -> memref<128xi32, #tpu.memory_space<vmem>>
    %dma_wait3A_520 = tpu.memref_slice %arg15[%add3A_308] : memref<16384xi32, #tpu.memory_space<vmem_shared>> -> memref<128xi32, #tpu.memory_space<vmem_shared>>
    tpu.wait_dma2 semaphore(%arg17 : memref<!tpu.dma_semaphore, #tpu.memory_space<semaphore_mem>>) src(%dma_wait3A_520 : memref<128xi32, #tpu.memory_space<vmem_shared>>) dst(%dma_wait3A_519 : memref<128xi32, #tpu.memory_space<vmem>>)
    %dma_wait3A_521 = arith.constant 1536 : i32
    %dma_wait3A_522 = tpu.memref_slice %arg13[%dma_wait3A_521] : memref<2048xf32, #tpu.memory_space<vmem>> -> memref<128xf32, #tpu.memory_space<vmem>>
    %dma_wait3A_523 = tpu.memref_slice %arg16[%add3A_316] : memref<16384xf32, #tpu.memory_space<vmem_shared>> -> memref<128xf32, #tpu.memory_space<vmem_shared>>
    %dma_wait3A_524 = arith.constant 1536 : i32
    %dma_wait3A_525 = tpu.memref_slice %arg13[%dma_wait3A_524] : memref<2048xf32, #tpu.memory_space<vmem>> -> memref<128xf32, #tpu.memory_space<vmem>>
    %dma_wait3A_526 = tpu.memref_slice %arg16[%add3A_316] : memref<16384xf32, #tpu.memory_space<vmem_shared>> -> memref<128xf32, #tpu.memory_space<vmem_shared>>
    tpu.wait_dma2 semaphore(%arg17 : memref<!tpu.dma_semaphore, #tpu.memory_space<semaphore_mem>>) src(%dma_wait3A_526 : memref<128xf32, #tpu.memory_space<vmem_shared>>) dst(%dma_wait3A_525 : memref<128xf32, #tpu.memory_space<vmem>>)
    %dma_wait3A_527 = arith.constant 1664 : i32
    %dma_wait3A_528 = tpu.memref_slice %arg12[%dma_wait3A_527] : memref<2048xi32, #tpu.memory_space<vmem>> -> memref<128xi32, #tpu.memory_space<vmem>>
    %dma_wait3A_529 = tpu.memref_slice %arg15[%add3A_324] : memref<16384xi32, #tpu.memory_space<vmem_shared>> -> memref<128xi32, #tpu.memory_space<vmem_shared>>
    %dma_wait3A_530 = arith.constant 1664 : i32
    %dma_wait3A_531 = tpu.memref_slice %arg12[%dma_wait3A_530] : memref<2048xi32, #tpu.memory_space<vmem>> -> memref<128xi32, #tpu.memory_space<vmem>>
    %dma_wait3A_532 = tpu.memref_slice %arg15[%add3A_324] : memref<16384xi32, #tpu.memory_space<vmem_shared>> -> memref<128xi32, #tpu.memory_space<vmem_shared>>
    tpu.wait_dma2 semaphore(%arg17 : memref<!tpu.dma_semaphore, #tpu.memory_space<semaphore_mem>>) src(%dma_wait3A_532 : memref<128xi32, #tpu.memory_space<vmem_shared>>) dst(%dma_wait3A_531 : memref<128xi32, #tpu.memory_space<vmem>>)
    %dma_wait3A_533 = arith.constant 1664 : i32
    %dma_wait3A_534 = tpu.memref_slice %arg13[%dma_wait3A_533] : memref<2048xf32, #tpu.memory_space<vmem>> -> memref<128xf32, #tpu.memory_space<vmem>>
    %dma_wait3A_535 = tpu.memref_slice %arg16[%add3A_332] : memref<16384xf32, #tpu.memory_space<vmem_shared>> -> memref<128xf32, #tpu.memory_space<vmem_shared>>
    %dma_wait3A_536 = arith.constant 1664 : i32
    %dma_wait3A_537 = tpu.memref_slice %arg13[%dma_wait3A_536] : memref<2048xf32, #tpu.memory_space<vmem>> -> memref<128xf32, #tpu.memory_space<vmem>>
    %dma_wait3A_538 = tpu.memref_slice %arg16[%add3A_332] : memref<16384xf32, #tpu.memory_space<vmem_shared>> -> memref<128xf32, #tpu.memory_space<vmem_shared>>
    tpu.wait_dma2 semaphore(%arg17 : memref<!tpu.dma_semaphore, #tpu.memory_space<semaphore_mem>>) src(%dma_wait3A_538 : memref<128xf32, #tpu.memory_space<vmem_shared>>) dst(%dma_wait3A_537 : memref<128xf32, #tpu.memory_space<vmem>>)
    %dma_wait3A_539 = arith.constant 1792 : i32
    %dma_wait3A_540 = tpu.memref_slice %arg12[%dma_wait3A_539] : memref<2048xi32, #tpu.memory_space<vmem>> -> memref<128xi32, #tpu.memory_space<vmem>>
    %dma_wait3A_541 = tpu.memref_slice %arg15[%add3A_340] : memref<16384xi32, #tpu.memory_space<vmem_shared>> -> memref<128xi32, #tpu.memory_space<vmem_shared>>
    %dma_wait3A_542 = arith.constant 1792 : i32
    %dma_wait3A_543 = tpu.memref_slice %arg12[%dma_wait3A_542] : memref<2048xi32, #tpu.memory_space<vmem>> -> memref<128xi32, #tpu.memory_space<vmem>>
    %dma_wait3A_544 = tpu.memref_slice %arg15[%add3A_340] : memref<16384xi32, #tpu.memory_space<vmem_shared>> -> memref<128xi32, #tpu.memory_space<vmem_shared>>
    tpu.wait_dma2 semaphore(%arg17 : memref<!tpu.dma_semaphore, #tpu.memory_space<semaphore_mem>>) src(%dma_wait3A_544 : memref<128xi32, #tpu.memory_space<vmem_shared>>) dst(%dma_wait3A_543 : memref<128xi32, #tpu.memory_space<vmem>>)
    %dma_wait3A_545 = arith.constant 1792 : i32
    %dma_wait3A_546 = tpu.memref_slice %arg13[%dma_wait3A_545] : memref<2048xf32, #tpu.memory_space<vmem>> -> memref<128xf32, #tpu.memory_space<vmem>>
    %dma_wait3A_547 = tpu.memref_slice %arg16[%add3A_348] : memref<16384xf32, #tpu.memory_space<vmem_shared>> -> memref<128xf32, #tpu.memory_space<vmem_shared>>
    %dma_wait3A_548 = arith.constant 1792 : i32
    %dma_wait3A_549 = tpu.memref_slice %arg13[%dma_wait3A_548] : memref<2048xf32, #tpu.memory_space<vmem>> -> memref<128xf32, #tpu.memory_space<vmem>>
    %dma_wait3A_550 = tpu.memref_slice %arg16[%add3A_348] : memref<16384xf32, #tpu.memory_space<vmem_shared>> -> memref<128xf32, #tpu.memory_space<vmem_shared>>
    tpu.wait_dma2 semaphore(%arg17 : memref<!tpu.dma_semaphore, #tpu.memory_space<semaphore_mem>>) src(%dma_wait3A_550 : memref<128xf32, #tpu.memory_space<vmem_shared>>) dst(%dma_wait3A_549 : memref<128xf32, #tpu.memory_space<vmem>>)
    %dma_wait3A_551 = arith.constant 1920 : i32
    %dma_wait3A_552 = tpu.memref_slice %arg12[%dma_wait3A_551] : memref<2048xi32, #tpu.memory_space<vmem>> -> memref<128xi32, #tpu.memory_space<vmem>>
    %dma_wait3A_553 = tpu.memref_slice %arg15[%add3A_356] : memref<16384xi32, #tpu.memory_space<vmem_shared>> -> memref<128xi32, #tpu.memory_space<vmem_shared>>
    %dma_wait3A_554 = arith.constant 1920 : i32
    %dma_wait3A_555 = tpu.memref_slice %arg12[%dma_wait3A_554] : memref<2048xi32, #tpu.memory_space<vmem>> -> memref<128xi32, #tpu.memory_space<vmem>>
    %dma_wait3A_556 = tpu.memref_slice %arg15[%add3A_356] : memref<16384xi32, #tpu.memory_space<vmem_shared>> -> memref<128xi32, #tpu.memory_space<vmem_shared>>
    tpu.wait_dma2 semaphore(%arg17 : memref<!tpu.dma_semaphore, #tpu.memory_space<semaphore_mem>>) src(%dma_wait3A_556 : memref<128xi32, #tpu.memory_space<vmem_shared>>) dst(%dma_wait3A_555 : memref<128xi32, #tpu.memory_space<vmem>>)
    %dma_wait3A_557 = arith.constant 1920 : i32
    %dma_wait3A_558 = tpu.memref_slice %arg13[%dma_wait3A_557] : memref<2048xf32, #tpu.memory_space<vmem>> -> memref<128xf32, #tpu.memory_space<vmem>>
    %dma_wait3A_559 = tpu.memref_slice %arg16[%add3A_364] : memref<16384xf32, #tpu.memory_space<vmem_shared>> -> memref<128xf32, #tpu.memory_space<vmem_shared>>
    %dma_wait3A_560 = arith.constant 1920 : i32
    %dma_wait3A_561 = tpu.memref_slice %arg13[%dma_wait3A_560] : memref<2048xf32, #tpu.memory_space<vmem>> -> memref<128xf32, #tpu.memory_space<vmem>>
    %dma_wait3A_562 = tpu.memref_slice %arg16[%add3A_364] : memref<16384xf32, #tpu.memory_space<vmem_shared>> -> memref<128xf32, #tpu.memory_space<vmem_shared>>
    tpu.wait_dma2 semaphore(%arg17 : memref<!tpu.dma_semaphore, #tpu.memory_space<semaphore_mem>>) src(%dma_wait3A_562 : memref<128xf32, #tpu.memory_space<vmem_shared>>) dst(%dma_wait3A_561 : memref<128xf32, #tpu.memory_space<vmem>>)
    %broadcast_in_dim3A_563 = arith.constant 4 : i32
    %broadcast_in_dim3A_564 = vector.broadcast %broadcast_in_dim3A_563 : i32 to vector<16xi32>
    %gather3A_565 = tpu.vector_load_idx %arg9[%broadcast_in_dim3A_564] : memref<128xf32, #tpu.memory_space<vmem>>[vector<16xi32>], vector<16xf32>,
    %broadcast_in_dim3A_566 = arith.constant 62 : i32
    %broadcast_in_dim3A_567 = vector.broadcast %broadcast_in_dim3A_566 : i32 to vector<16xi32>
    %gather3A_568 = tpu.vector_load_idx %arg9[%broadcast_in_dim3A_567] : memref<128xf32, #tpu.memory_space<vmem>>[vector<16xi32>], vector<16xf32>,
    %broadcast_in_dim3A_569 = arith.constant 63 : i32
    %broadcast_in_dim3A_570 = vector.broadcast %broadcast_in_dim3A_569 : i32 to vector<16xi32>
    %gather3A_571 = tpu.vector_load_idx %arg9[%broadcast_in_dim3A_570] : memref<128xf32, #tpu.memory_space<vmem>>[vector<16xi32>], vector<16xf32>,
    %jit3A_572 = arith.constant 4 : i32
    %eq3A_573 = arith.constant 0 : i32
    %eq3A_574 = arith.cmpi eq, %jit3A_572, %eq3A_573 : i32
    %jit3A_575 = arith.constant 1 : i32
    %select_n3A_576 = arith.select %eq3A_574, %jit3A_575, %jit3A_572 : i32
    %rem3A_577 = vector.broadcast %select_n3A_576 : i32 to vector<16xi32>
    %rem3A_578 = arith.remsi %iota3A, %rem3A_577 : vector<16xi32>
    %ne3A_579 = arith.constant 0 : i32
    %ne3A_580 = vector.broadcast %ne3A_579 : i32 to vector<16xi32>
    %ne3A_581 = arith.cmpi ne, %rem3A_578, %ne3A_580 : vector<16xi32>
    %lt3A_582 = arith.constant 0 : i32
    %lt3A_583 = vector.broadcast %lt3A_582 : i32 to vector<16xi32>
    %lt3A_584 = arith.cmpi slt, %rem3A_578, %lt3A_583 : vector<16xi32>
    %lt3A_585 = arith.constant 0 : i32
    %lt3A_586 = arith.cmpi slt, %select_n3A_576, %lt3A_585 : i32
    %ne3A_587 = vector.broadcast %lt3A_586 : i1 to vector<16xi1>
    %ne3A_588 = vector.broadcast %ne3A_587 : vector<16xi1> to vector<16xi1>
    %ne3A_589 = arith.xori %lt3A_584, %ne3A_588 : vector<16xi1>
    %and3A_590 = arith.andi %ne3A_589, %ne3A_581 : vector<16xi1>
    %add3A_591 = vector.broadcast %select_n3A_576 : i32 to vector<16xi32>
    %add3A_592 = arith.addi %rem3A_578, %add3A_591 : vector<16xi32>
    %select_n3A_593 = arith.select %and3A_590, %add3A_592, %rem3A_578 : vector<16xi1>, vector<16xi32>
    %eq3A_594 = arith.constant 0 : i32
    %eq3A_595 = vector.broadcast %eq3A_594 : i32 to vector<16xi32>
    %eq3A_596 = arith.cmpi eq, %select_n3A_593, %eq3A_595 : vector<16xi32>
    %eq3A_597 = arith.constant 1 : i32
    %eq3A_598 = vector.broadcast %eq3A_597 : i32 to vector<16xi32>
    %eq3A_599 = arith.cmpi eq, %select_n3A_593, %eq3A_598 : vector<16xi32>
    %select_n3A_600 = arith.select %eq3A_599, %gather3A_568, %gather3A_571 : vector<16xi1>, vector<16xf32>
    %select_n3A_601 = arith.select %eq3A_596, %gather3A_565, %select_n3A_600 : vector<16xi1>, vector<16xf32>
    %swap3A = arith.constant 0 : index
    %swap3A_602 = tpu.vector_load %arg14[%swap3A] {strides = array<i32>} : memref<128xf32, #tpu.memory_space<vmem>>, vector<16xf32>,
    tpu.vector_store %arg14[%swap3A], %select_n3A_601 {strides = array<i32>} : memref<128xf32, #tpu.memory_space<vmem>>, vector<16xf32>,
    %swap3A_603 = arith.constant 16 : index
    %swap3A_604 = tpu.vector_load %arg14[%swap3A_603] {strides = array<i32>} : memref<128xf32, #tpu.memory_space<vmem>>, vector<16xf32>,
    tpu.vector_store %arg14[%swap3A_603], %select_n3A_601 {strides = array<i32>} : memref<128xf32, #tpu.memory_space<vmem>>, vector<16xf32>,
    %swap3A_605 = arith.constant 32 : index
    %swap3A_606 = tpu.vector_load %arg14[%swap3A_605] {strides = array<i32>} : memref<128xf32, #tpu.memory_space<vmem>>, vector<16xf32>,
    tpu.vector_store %arg14[%swap3A_605], %select_n3A_601 {strides = array<i32>} : memref<128xf32, #tpu.memory_space<vmem>>, vector<16xf32>,
    %swap3A_607 = arith.constant 48 : index
    %swap3A_608 = tpu.vector_load %arg14[%swap3A_607] {strides = array<i32>} : memref<128xf32, #tpu.memory_space<vmem>>, vector<16xf32>,
    tpu.vector_store %arg14[%swap3A_607], %select_n3A_601 {strides = array<i32>} : memref<128xf32, #tpu.memory_space<vmem>>, vector<16xf32>,
    %swap3A_609 = arith.constant 64 : index
    %swap3A_610 = tpu.vector_load %arg14[%swap3A_609] {strides = array<i32>} : memref<128xf32, #tpu.memory_space<vmem>>, vector<16xf32>,
    tpu.vector_store %arg14[%swap3A_609], %select_n3A_601 {strides = array<i32>} : memref<128xf32, #tpu.memory_space<vmem>>, vector<16xf32>,
    %swap3A_611 = arith.constant 80 : index
    %swap3A_612 = tpu.vector_load %arg14[%swap3A_611] {strides = array<i32>} : memref<128xf32, #tpu.memory_space<vmem>>, vector<16xf32>,
    tpu.vector_store %arg14[%swap3A_611], %select_n3A_601 {strides = array<i32>} : memref<128xf32, #tpu.memory_space<vmem>>, vector<16xf32>,
    %swap3A_613 = arith.constant 96 : index
    %swap3A_614 = tpu.vector_load %arg14[%swap3A_613] {strides = array<i32>} : memref<128xf32, #tpu.memory_space<vmem>>, vector<16xf32>,
    tpu.vector_store %arg14[%swap3A_613], %select_n3A_601 {strides = array<i32>} : memref<128xf32, #tpu.memory_space<vmem>>, vector<16xf32>,
    %swap3A_615 = arith.constant 112 : index
    %swap3A_616 = tpu.vector_load %arg14[%swap3A_615] {strides = array<i32>} : memref<128xf32, #tpu.memory_space<vmem>>, vector<16xf32>,
    tpu.vector_store %arg14[%swap3A_615], %select_n3A_601 {strides = array<i32>} : memref<128xf32, #tpu.memory_space<vmem>>, vector<16xf32>,
    %add3A_617 = arith.constant 0 : i32
    %add3A_618 = arith.addi %mul3A_114, %add3A_617 : i32
    %get3A_619 = arith.index_cast %add3A_618 : i32 to index
    %get3A_620 = tpu.vector_load %arg12[%get3A_619] {strides = array<i32>} : memref<2048xi32, #tpu.memory_space<vmem>>, vector<16xi32>,
    %add3A_621 = arith.constant 0 : i32
    %add3A_622 = arith.addi %mul3A_114, %add3A_621 : i32
    %get3A_623 = arith.index_cast %add3A_622 : i32 to index
    %get3A_624 = tpu.vector_load %arg13[%get3A_623] {strides = array<i32>} : memref<2048xf32, #tpu.memory_space<vmem>>, vector<16xf32>,
    %add3A_625 = arith.constant 128 : i32
    %add3A_626 = arith.addi %add3A_625, %mul3A_114 : i32
    %add3A_627 = arith.constant 0 : i32
    %add3A_628 = arith.addi %add3A_626, %add3A_627 : i32
    %get3A_629 = arith.index_cast %add3A_628 : i32 to index
    %get3A_630 = tpu.vector_load %arg12[%get3A_629] {strides = array<i32>} : memref<2048xi32, #tpu.memory_space<vmem>>, vector<16xi32>,
    %add3A_631 = arith.constant 128 : i32
    %add3A_632 = arith.addi %add3A_631, %mul3A_114 : i32
    %add3A_633 = arith.constant 0 : i32
    %add3A_634 = arith.addi %add3A_632, %add3A_633 : i32
    %get3A_635 = arith.index_cast %add3A_634 : i32 to index
    %get3A_636 = tpu.vector_load %arg13[%get3A_635] {strides = array<i32>} : memref<2048xf32, #tpu.memory_space<vmem>>, vector<16xf32>,
    %le3A = arith.cmpi sle, %get3A_630, %get3A_620 : vector<16xi32>
    %select_n3A_637 = arith.select %le3A, %get3A_636, %get3A_624 : vector<16xi1>, vector<16xf32>
    %min3A = arith.minsi %get3A_630, %get3A_620 : vector<16xi32>
    %add3A_638 = arith.constant 256 : i32
    %add3A_639 = arith.addi %add3A_638, %mul3A_114 : i32
    %add3A_640 = arith.constant 0 : i32
    %add3A_641 = arith.addi %add3A_639, %add3A_640 : i32
    %get3A_642 = arith.index_cast %add3A_641 : i32 to index
    %get3A_643 = tpu.vector_load %arg12[%get3A_642] {strides = array<i32>} : memref<2048xi32, #tpu.memory_space<vmem>>, vector<16xi32>,
    %add3A_644 = arith.constant 256 : i32
    %add3A_645 = arith.addi %add3A_644, %mul3A_114 : i32
    %add3A_646 = arith.constant 0 : i32
    %add3A_647 = arith.addi %add3A_645, %add3A_646 : i32
    %get3A_648 = arith.index_cast %add3A_647 : i32 to index
    %get3A_649 = tpu.vector_load %arg13[%get3A_648] {strides = array<i32>} : memref<2048xf32, #tpu.memory_space<vmem>>, vector<16xf32>,
    %le3A_650 = arith.cmpi sle, %get3A_643, %min3A : vector<16xi32>
    %select_n3A_651 = arith.select %le3A_650, %get3A_649, %select_n3A_637 : vector<16xi1>, vector<16xf32>
    %min3A_652 = arith.minsi %get3A_643, %min3A : vector<16xi32>
    %add3A_653 = arith.constant 384 : i32
    %add3A_654 = arith.addi %add3A_653, %mul3A_114 : i32
    %add3A_655 = arith.constant 0 : i32
    %add3A_656 = arith.addi %add3A_654, %add3A_655 : i32
    %get3A_657 = arith.index_cast %add3A_656 : i32 to index
    %get3A_658 = tpu.vector_load %arg12[%get3A_657] {strides = array<i32>} : memref<2048xi32, #tpu.memory_space<vmem>>, vector<16xi32>,
    %add3A_659 = arith.constant 384 : i32
    %add3A_660 = arith.addi %add3A_659, %mul3A_114 : i32
    %add3A_661 = arith.constant 0 : i32
    %add3A_662 = arith.addi %add3A_660, %add3A_661 : i32
    %get3A_663 = arith.index_cast %add3A_662 : i32 to index
    %get3A_664 = tpu.vector_load %arg13[%get3A_663] {strides = array<i32>} : memref<2048xf32, #tpu.memory_space<vmem>>, vector<16xf32>,
    %le3A_665 = arith.cmpi sle, %get3A_658, %min3A_652 : vector<16xi32>
    %select_n3A_666 = arith.select %le3A_665, %get3A_664, %select_n3A_651 : vector<16xi1>, vector<16xf32>
    %min3A_667 = arith.minsi %get3A_658, %min3A_652 : vector<16xi32>
    %add3A_668 = arith.constant 512 : i32
    %add3A_669 = arith.addi %add3A_668, %mul3A_114 : i32
    %add3A_670 = arith.constant 0 : i32
    %add3A_671 = arith.addi %add3A_669, %add3A_670 : i32
    %get3A_672 = arith.index_cast %add3A_671 : i32 to index
    %get3A_673 = tpu.vector_load %arg12[%get3A_672] {strides = array<i32>} : memref<2048xi32, #tpu.memory_space<vmem>>, vector<16xi32>,
    %add3A_674 = arith.constant 512 : i32
    %add3A_675 = arith.addi %add3A_674, %mul3A_114 : i32
    %add3A_676 = arith.constant 0 : i32
    %add3A_677 = arith.addi %add3A_675, %add3A_676 : i32
    %get3A_678 = arith.index_cast %add3A_677 : i32 to index
    %get3A_679 = tpu.vector_load %arg13[%get3A_678] {strides = array<i32>} : memref<2048xf32, #tpu.memory_space<vmem>>, vector<16xf32>,
    %le3A_680 = arith.cmpi sle, %get3A_673, %min3A_667 : vector<16xi32>
    %select_n3A_681 = arith.select %le3A_680, %get3A_679, %select_n3A_666 : vector<16xi1>, vector<16xf32>
    %min3A_682 = arith.minsi %get3A_673, %min3A_667 : vector<16xi32>
    %add3A_683 = arith.constant 640 : i32
    %add3A_684 = arith.addi %add3A_683, %mul3A_114 : i32
    %add3A_685 = arith.constant 0 : i32
    %add3A_686 = arith.addi %add3A_684, %add3A_685 : i32
    %get3A_687 = arith.index_cast %add3A_686 : i32 to index
    %get3A_688 = tpu.vector_load %arg12[%get3A_687] {strides = array<i32>} : memref<2048xi32, #tpu.memory_space<vmem>>, vector<16xi32>,
    %add3A_689 = arith.constant 640 : i32
    %add3A_690 = arith.addi %add3A_689, %mul3A_114 : i32
    %add3A_691 = arith.constant 0 : i32
    %add3A_692 = arith.addi %add3A_690, %add3A_691 : i32
    %get3A_693 = arith.index_cast %add3A_692 : i32 to index
    %get3A_694 = tpu.vector_load %arg13[%get3A_693] {strides = array<i32>} : memref<2048xf32, #tpu.memory_space<vmem>>, vector<16xf32>,
    %le3A_695 = arith.cmpi sle, %get3A_688, %min3A_682 : vector<16xi32>
    %select_n3A_696 = arith.select %le3A_695, %get3A_694, %select_n3A_681 : vector<16xi1>, vector<16xf32>
    %min3A_697 = arith.minsi %get3A_688, %min3A_682 : vector<16xi32>
    %add3A_698 = arith.constant 768 : i32
    %add3A_699 = arith.addi %add3A_698, %mul3A_114 : i32
    %add3A_700 = arith.constant 0 : i32
    %add3A_701 = arith.addi %add3A_699, %add3A_700 : i32
    %get3A_702 = arith.index_cast %add3A_701 : i32 to index
    %get3A_703 = tpu.vector_load %arg12[%get3A_702] {strides = array<i32>} : memref<2048xi32, #tpu.memory_space<vmem>>, vector<16xi32>,
    %add3A_704 = arith.constant 768 : i32
    %add3A_705 = arith.addi %add3A_704, %mul3A_114 : i32
    %add3A_706 = arith.constant 0 : i32
    %add3A_707 = arith.addi %add3A_705, %add3A_706 : i32
    %get3A_708 = arith.index_cast %add3A_707 : i32 to index
    %get3A_709 = tpu.vector_load %arg13[%get3A_708] {strides = array<i32>} : memref<2048xf32, #tpu.memory_space<vmem>>, vector<16xf32>,
    %le3A_710 = arith.cmpi sle, %get3A_703, %min3A_697 : vector<16xi32>
    %select_n3A_711 = arith.select %le3A_710, %get3A_709, %select_n3A_696 : vector<16xi1>, vector<16xf32>
    %min3A_712 = arith.minsi %get3A_703, %min3A_697 : vector<16xi32>
    %add3A_713 = arith.constant 896 : i32
    %add3A_714 = arith.addi %add3A_713, %mul3A_114 : i32
    %add3A_715 = arith.constant 0 : i32
    %add3A_716 = arith.addi %add3A_714, %add3A_715 : i32
    %get3A_717 = arith.index_cast %add3A_716 : i32 to index
    %get3A_718 = tpu.vector_load %arg12[%get3A_717] {strides = array<i32>} : memref<2048xi32, #tpu.memory_space<vmem>>, vector<16xi32>,
    %add3A_719 = arith.constant 896 : i32
    %add3A_720 = arith.addi %add3A_719, %mul3A_114 : i32
    %add3A_721 = arith.constant 0 : i32
    %add3A_722 = arith.addi %add3A_720, %add3A_721 : i32
    %get3A_723 = arith.index_cast %add3A_722 : i32 to index
    %get3A_724 = tpu.vector_load %arg13[%get3A_723] {strides = array<i32>} : memref<2048xf32, #tpu.memory_space<vmem>>, vector<16xf32>,
    %le3A_725 = arith.cmpi sle, %get3A_718, %min3A_712 : vector<16xi32>
    %select_n3A_726 = arith.select %le3A_725, %get3A_724, %select_n3A_711 : vector<16xi1>, vector<16xf32>
    %min3A_727 = arith.minsi %get3A_718, %min3A_712 : vector<16xi32>
    %add3A_728 = arith.constant 1024 : i32
    %add3A_729 = arith.addi %add3A_728, %mul3A_114 : i32
    %add3A_730 = arith.constant 0 : i32
    %add3A_731 = arith.addi %add3A_729, %add3A_730 : i32
    %get3A_732 = arith.index_cast %add3A_731 : i32 to index
    %get3A_733 = tpu.vector_load %arg12[%get3A_732] {strides = array<i32>} : memref<2048xi32, #tpu.memory_space<vmem>>, vector<16xi32>,
    %add3A_734 = arith.constant 1024 : i32
    %add3A_735 = arith.addi %add3A_734, %mul3A_114 : i32
    %add3A_736 = arith.constant 0 : i32
    %add3A_737 = arith.addi %add3A_735, %add3A_736 : i32
    %get3A_738 = arith.index_cast %add3A_737 : i32 to index
    %get3A_739 = tpu.vector_load %arg13[%get3A_738] {strides = array<i32>} : memref<2048xf32, #tpu.memory_space<vmem>>, vector<16xf32>,
    %le3A_740 = arith.cmpi sle, %get3A_733, %min3A_727 : vector<16xi32>
    %select_n3A_741 = arith.select %le3A_740, %get3A_739, %select_n3A_726 : vector<16xi1>, vector<16xf32>
    %min3A_742 = arith.minsi %get3A_733, %min3A_727 : vector<16xi32>
    %add3A_743 = arith.constant 1152 : i32
    %add3A_744 = arith.addi %add3A_743, %mul3A_114 : i32
    %add3A_745 = arith.constant 0 : i32
    %add3A_746 = arith.addi %add3A_744, %add3A_745 : i32
    %get3A_747 = arith.index_cast %add3A_746 : i32 to index
    %get3A_748 = tpu.vector_load %arg12[%get3A_747] {strides = array<i32>} : memref<2048xi32, #tpu.memory_space<vmem>>, vector<16xi32>,
    %add3A_749 = arith.constant 1152 : i32
    %add3A_750 = arith.addi %add3A_749, %mul3A_114 : i32
    %add3A_751 = arith.constant 0 : i32
    %add3A_752 = arith.addi %add3A_750, %add3A_751 : i32
    %get3A_753 = arith.index_cast %add3A_752 : i32 to index
    %get3A_754 = tpu.vector_load %arg13[%get3A_753] {strides = array<i32>} : memref<2048xf32, #tpu.memory_space<vmem>>, vector<16xf32>,
    %le3A_755 = arith.cmpi sle, %get3A_748, %min3A_742 : vector<16xi32>
    %select_n3A_756 = arith.select %le3A_755, %get3A_754, %select_n3A_741 : vector<16xi1>, vector<16xf32>
    %min3A_757 = arith.minsi %get3A_748, %min3A_742 : vector<16xi32>
    %add3A_758 = arith.constant 1280 : i32
    %add3A_759 = arith.addi %add3A_758, %mul3A_114 : i32
    %add3A_760 = arith.constant 0 : i32
    %add3A_761 = arith.addi %add3A_759, %add3A_760 : i32
    %get3A_762 = arith.index_cast %add3A_761 : i32 to index
    %get3A_763 = tpu.vector_load %arg12[%get3A_762] {strides = array<i32>} : memref<2048xi32, #tpu.memory_space<vmem>>, vector<16xi32>,
    %add3A_764 = arith.constant 1280 : i32
    %add3A_765 = arith.addi %add3A_764, %mul3A_114 : i32
    %add3A_766 = arith.constant 0 : i32
    %add3A_767 = arith.addi %add3A_765, %add3A_766 : i32
    %get3A_768 = arith.index_cast %add3A_767 : i32 to index
    %get3A_769 = tpu.vector_load %arg13[%get3A_768] {strides = array<i32>} : memref<2048xf32, #tpu.memory_space<vmem>>, vector<16xf32>,
    %le3A_770 = arith.cmpi sle, %get3A_763, %min3A_757 : vector<16xi32>
    %select_n3A_771 = arith.select %le3A_770, %get3A_769, %select_n3A_756 : vector<16xi1>, vector<16xf32>
    %min3A_772 = arith.minsi %get3A_763, %min3A_757 : vector<16xi32>
    %add3A_773 = arith.constant 1408 : i32
    %add3A_774 = arith.addi %add3A_773, %mul3A_114 : i32
    %add3A_775 = arith.constant 0 : i32
    %add3A_776 = arith.addi %add3A_774, %add3A_775 : i32
    %get3A_777 = arith.index_cast %add3A_776 : i32 to index
    %get3A_778 = tpu.vector_load %arg12[%get3A_777] {strides = array<i32>} : memref<2048xi32, #tpu.memory_space<vmem>>, vector<16xi32>,
    %add3A_779 = arith.constant 1408 : i32
    %add3A_780 = arith.addi %add3A_779, %mul3A_114 : i32
    %add3A_781 = arith.constant 0 : i32
    %add3A_782 = arith.addi %add3A_780, %add3A_781 : i32
    %get3A_783 = arith.index_cast %add3A_782 : i32 to index
    %get3A_784 = tpu.vector_load %arg13[%get3A_783] {strides = array<i32>} : memref<2048xf32, #tpu.memory_space<vmem>>, vector<16xf32>,
    %le3A_785 = arith.cmpi sle, %get3A_778, %min3A_772 : vector<16xi32>
    %select_n3A_786 = arith.select %le3A_785, %get3A_784, %select_n3A_771 : vector<16xi1>, vector<16xf32>
    %min3A_787 = arith.minsi %get3A_778, %min3A_772 : vector<16xi32>
    %add3A_788 = arith.constant 1536 : i32
    %add3A_789 = arith.addi %add3A_788, %mul3A_114 : i32
    %add3A_790 = arith.constant 0 : i32
    %add3A_791 = arith.addi %add3A_789, %add3A_790 : i32
    %get3A_792 = arith.index_cast %add3A_791 : i32 to index
    %get3A_793 = tpu.vector_load %arg12[%get3A_792] {strides = array<i32>} : memref<2048xi32, #tpu.memory_space<vmem>>, vector<16xi32>,
    %add3A_794 = arith.constant 1536 : i32
    %add3A_795 = arith.addi %add3A_794, %mul3A_114 : i32
    %add3A_796 = arith.constant 0 : i32
    %add3A_797 = arith.addi %add3A_795, %add3A_796 : i32
    %get3A_798 = arith.index_cast %add3A_797 : i32 to index
    %get3A_799 = tpu.vector_load %arg13[%get3A_798] {strides = array<i32>} : memref<2048xf32, #tpu.memory_space<vmem>>, vector<16xf32>,
    %le3A_800 = arith.cmpi sle, %get3A_793, %min3A_787 : vector<16xi32>
    %select_n3A_801 = arith.select %le3A_800, %get3A_799, %select_n3A_786 : vector<16xi1>, vector<16xf32>
    %min3A_802 = arith.minsi %get3A_793, %min3A_787 : vector<16xi32>
    %add3A_803 = arith.constant 1664 : i32
    %add3A_804 = arith.addi %add3A_803, %mul3A_114 : i32
    %add3A_805 = arith.constant 0 : i32
    %add3A_806 = arith.addi %add3A_804, %add3A_805 : i32
    %get3A_807 = arith.index_cast %add3A_806 : i32 to index
    %get3A_808 = tpu.vector_load %arg12[%get3A_807] {strides = array<i32>} : memref<2048xi32, #tpu.memory_space<vmem>>, vector<16xi32>,
    %add3A_809 = arith.constant 1664 : i32
    %add3A_810 = arith.addi %add3A_809, %mul3A_114 : i32
    %add3A_811 = arith.constant 0 : i32
    %add3A_812 = arith.addi %add3A_810, %add3A_811 : i32
    %get3A_813 = arith.index_cast %add3A_812 : i32 to index
    %get3A_814 = tpu.vector_load %arg13[%get3A_813] {strides = array<i32>} : memref<2048xf32, #tpu.memory_space<vmem>>, vector<16xf32>,
    %le3A_815 = arith.cmpi sle, %get3A_808, %min3A_802 : vector<16xi32>
    %select_n3A_816 = arith.select %le3A_815, %get3A_814, %select_n3A_801 : vector<16xi1>, vector<16xf32>
    %min3A_817 = arith.minsi %get3A_808, %min3A_802 : vector<16xi32>
    %add3A_818 = arith.constant 1792 : i32
    %add3A_819 = arith.addi %add3A_818, %mul3A_114 : i32
    %add3A_820 = arith.constant 0 : i32
    %add3A_821 = arith.addi %add3A_819, %add3A_820 : i32
    %get3A_822 = arith.index_cast %add3A_821 : i32 to index
    %get3A_823 = tpu.vector_load %arg12[%get3A_822] {strides = array<i32>} : memref<2048xi32, #tpu.memory_space<vmem>>, vector<16xi32>,
    %add3A_824 = arith.constant 1792 : i32
    %add3A_825 = arith.addi %add3A_824, %mul3A_114 : i32
    %add3A_826 = arith.constant 0 : i32
    %add3A_827 = arith.addi %add3A_825, %add3A_826 : i32
    %get3A_828 = arith.index_cast %add3A_827 : i32 to index
    %get3A_829 = tpu.vector_load %arg13[%get3A_828] {strides = array<i32>} : memref<2048xf32, #tpu.memory_space<vmem>>, vector<16xf32>,
    %le3A_830 = arith.cmpi sle, %get3A_823, %min3A_817 : vector<16xi32>
    %select_n3A_831 = arith.select %le3A_830, %get3A_829, %select_n3A_816 : vector<16xi1>, vector<16xf32>
    %min3A_832 = arith.minsi %get3A_823, %min3A_817 : vector<16xi32>
    %add3A_833 = arith.constant 1920 : i32
    %add3A_834 = arith.addi %add3A_833, %mul3A_114 : i32
    %add3A_835 = arith.constant 0 : i32
    %add3A_836 = arith.addi %add3A_834, %add3A_835 : i32
    %get3A_837 = arith.index_cast %add3A_836 : i32 to index
    %get3A_838 = tpu.vector_load %arg12[%get3A_837] {strides = array<i32>} : memref<2048xi32, #tpu.memory_space<vmem>>, vector<16xi32>,
    %add3A_839 = arith.constant 1920 : i32
    %add3A_840 = arith.addi %add3A_839, %mul3A_114 : i32
    %add3A_841 = arith.constant 0 : i32
    %add3A_842 = arith.addi %add3A_840, %add3A_841 : i32
    %get3A_843 = arith.index_cast %add3A_842 : i32 to index
    %get3A_844 = tpu.vector_load %arg13[%get3A_843] {strides = array<i32>} : memref<2048xf32, #tpu.memory_space<vmem>>, vector<16xf32>,
    %le3A_845 = arith.cmpi sle, %get3A_838, %min3A_832 : vector<16xi32>
    %select_n3A_846 = arith.select %le3A_845, %get3A_844, %select_n3A_831 : vector<16xi1>, vector<16xf32>
    %min3A_847 = arith.minsi %get3A_838, %min3A_832 : vector<16xi32>
    %mul3A_848 = arith.constant 4 : i32
    %mul3A_849 = vector.broadcast %mul3A_848 : i32 to vector<16xi32>
    %mul3A_850 = arith.muli %iota3A, %mul3A_849 : vector<16xi32>
    %add3A_851 = arith.constant 3 : i32
    %add3A_852 = vector.broadcast %add3A_851 : i32 to vector<16xi32>
    %add3A_853 = arith.addi %mul3A_850, %add3A_852 : vector<16xi32>
    tpu.vector_store_idx %arg14[%add3A_853], %select_n3A_846 : memref<128xf32, #tpu.memory_space<vmem>>[vector<16xi32>], vector<16xf32>,
    %add3A_854 = arith.constant 16 : i32
    %add3A_855 = arith.addi %mul3A_114, %add3A_854 : i32
    %get3A_856 = arith.index_cast %add3A_855 : i32 to index
    %get3A_857 = tpu.vector_load %arg12[%get3A_856] {strides = array<i32>} : memref<2048xi32, #tpu.memory_space<vmem>>, vector<16xi32>,
    %add3A_858 = arith.constant 16 : i32
    %add3A_859 = arith.addi %mul3A_114, %add3A_858 : i32
    %get3A_860 = arith.index_cast %add3A_859 : i32 to index
    %get3A_861 = tpu.vector_load %arg13[%get3A_860] {strides = array<i32>} : memref<2048xf32, #tpu.memory_space<vmem>>, vector<16xf32>,
    %add3A_862 = arith.constant 128 : i32
    %add3A_863 = arith.addi %add3A_862, %mul3A_114 : i32
    %add3A_864 = arith.constant 16 : i32
    %add3A_865 = arith.addi %add3A_863, %add3A_864 : i32
    %get3A_866 = arith.index_cast %add3A_865 : i32 to index
    %get3A_867 = tpu.vector_load %arg12[%get3A_866] {strides = array<i32>} : memref<2048xi32, #tpu.memory_space<vmem>>, vector<16xi32>,
    %add3A_868 = arith.constant 128 : i32
    %add3A_869 = arith.addi %add3A_868, %mul3A_114 : i32
    %add3A_870 = arith.constant 16 : i32
    %add3A_871 = arith.addi %add3A_869, %add3A_870 : i32
    %get3A_872 = arith.index_cast %add3A_871 : i32 to index
    %get3A_873 = tpu.vector_load %arg13[%get3A_872] {strides = array<i32>} : memref<2048xf32, #tpu.memory_space<vmem>>, vector<16xf32>,
    %le3A_874 = arith.cmpi sle, %get3A_867, %get3A_857 : vector<16xi32>
    %select_n3A_875 = arith.select %le3A_874, %get3A_873, %get3A_861 : vector<16xi1>, vector<16xf32>
    %min3A_876 = arith.minsi %get3A_867, %get3A_857 : vector<16xi32>
    %add3A_877 = arith.constant 256 : i32
    %add3A_878 = arith.addi %add3A_877, %mul3A_114 : i32
    %add3A_879 = arith.constant 16 : i32
    %add3A_880 = arith.addi %add3A_878, %add3A_879 : i32
    %get3A_881 = arith.index_cast %add3A_880 : i32 to index
    %get3A_882 = tpu.vector_load %arg12[%get3A_881] {strides = array<i32>} : memref<2048xi32, #tpu.memory_space<vmem>>, vector<16xi32>,
    %add3A_883 = arith.constant 256 : i32
    %add3A_884 = arith.addi %add3A_883, %mul3A_114 : i32
    %add3A_885 = arith.constant 16 : i32
    %add3A_886 = arith.addi %add3A_884, %add3A_885 : i32
    %get3A_887 = arith.index_cast %add3A_886 : i32 to index
    %get3A_888 = tpu.vector_load %arg13[%get3A_887] {strides = array<i32>} : memref<2048xf32, #tpu.memory_space<vmem>>, vector<16xf32>,
    %le3A_889 = arith.cmpi sle, %get3A_882, %min3A_876 : vector<16xi32>
    %select_n3A_890 = arith.select %le3A_889, %get3A_888, %select_n3A_875 : vector<16xi1>, vector<16xf32>
    %min3A_891 = arith.minsi %get3A_882, %min3A_876 : vector<16xi32>
    %add3A_892 = arith.constant 384 : i32
    %add3A_893 = arith.addi %add3A_892, %mul3A_114 : i32
    %add3A_894 = arith.constant 16 : i32
    %add3A_895 = arith.addi %add3A_893, %add3A_894 : i32
    %get3A_896 = arith.index_cast %add3A_895 : i32 to index
    %get3A_897 = tpu.vector_load %arg12[%get3A_896] {strides = array<i32>} : memref<2048xi32, #tpu.memory_space<vmem>>, vector<16xi32>,
    %add3A_898 = arith.constant 384 : i32
    %add3A_899 = arith.addi %add3A_898, %mul3A_114 : i32
    %add3A_900 = arith.constant 16 : i32
    %add3A_901 = arith.addi %add3A_899, %add3A_900 : i32
    %get3A_902 = arith.index_cast %add3A_901 : i32 to index
    %get3A_903 = tpu.vector_load %arg13[%get3A_902] {strides = array<i32>} : memref<2048xf32, #tpu.memory_space<vmem>>, vector<16xf32>,
    %le3A_904 = arith.cmpi sle, %get3A_897, %min3A_891 : vector<16xi32>
    %select_n3A_905 = arith.select %le3A_904, %get3A_903, %select_n3A_890 : vector<16xi1>, vector<16xf32>
    %min3A_906 = arith.minsi %get3A_897, %min3A_891 : vector<16xi32>
    %add3A_907 = arith.constant 512 : i32
    %add3A_908 = arith.addi %add3A_907, %mul3A_114 : i32
    %add3A_909 = arith.constant 16 : i32
    %add3A_910 = arith.addi %add3A_908, %add3A_909 : i32
    %get3A_911 = arith.index_cast %add3A_910 : i32 to index
    %get3A_912 = tpu.vector_load %arg12[%get3A_911] {strides = array<i32>} : memref<2048xi32, #tpu.memory_space<vmem>>, vector<16xi32>,
    %add3A_913 = arith.constant 512 : i32
    %add3A_914 = arith.addi %add3A_913, %mul3A_114 : i32
    %add3A_915 = arith.constant 16 : i32
    %add3A_916 = arith.addi %add3A_914, %add3A_915 : i32
    %get3A_917 = arith.index_cast %add3A_916 : i32 to index
    %get3A_918 = tpu.vector_load %arg13[%get3A_917] {strides = array<i32>} : memref<2048xf32, #tpu.memory_space<vmem>>, vector<16xf32>,
    %le3A_919 = arith.cmpi sle, %get3A_912, %min3A_906 : vector<16xi32>
    %select_n3A_920 = arith.select %le3A_919, %get3A_918, %select_n3A_905 : vector<16xi1>, vector<16xf32>
    %min3A_921 = arith.minsi %get3A_912, %min3A_906 : vector<16xi32>
    %add3A_922 = arith.constant 640 : i32
    %add3A_923 = arith.addi %add3A_922, %mul3A_114 : i32
    %add3A_924 = arith.constant 16 : i32
    %add3A_925 = arith.addi %add3A_923, %add3A_924 : i32
    %get3A_926 = arith.index_cast %add3A_925 : i32 to index
    %get3A_927 = tpu.vector_load %arg12[%get3A_926] {strides = array<i32>} : memref<2048xi32, #tpu.memory_space<vmem>>, vector<16xi32>,
    %add3A_928 = arith.constant 640 : i32
    %add3A_929 = arith.addi %add3A_928, %mul3A_114 : i32
    %add3A_930 = arith.constant 16 : i32
    %add3A_931 = arith.addi %add3A_929, %add3A_930 : i32
    %get3A_932 = arith.index_cast %add3A_931 : i32 to index
    %get3A_933 = tpu.vector_load %arg13[%get3A_932] {strides = array<i32>} : memref<2048xf32, #tpu.memory_space<vmem>>, vector<16xf32>,
    %le3A_934 = arith.cmpi sle, %get3A_927, %min3A_921 : vector<16xi32>
    %select_n3A_935 = arith.select %le3A_934, %get3A_933, %select_n3A_920 : vector<16xi1>, vector<16xf32>
    %min3A_936 = arith.minsi %get3A_927, %min3A_921 : vector<16xi32>
    %add3A_937 = arith.constant 768 : i32
    %add3A_938 = arith.addi %add3A_937, %mul3A_114 : i32
    %add3A_939 = arith.constant 16 : i32
    %add3A_940 = arith.addi %add3A_938, %add3A_939 : i32
    %get3A_941 = arith.index_cast %add3A_940 : i32 to index
    %get3A_942 = tpu.vector_load %arg12[%get3A_941] {strides = array<i32>} : memref<2048xi32, #tpu.memory_space<vmem>>, vector<16xi32>,
    %add3A_943 = arith.constant 768 : i32
    %add3A_944 = arith.addi %add3A_943, %mul3A_114 : i32
    %add3A_945 = arith.constant 16 : i32
    %add3A_946 = arith.addi %add3A_944, %add3A_945 : i32
    %get3A_947 = arith.index_cast %add3A_946 : i32 to index
    %get3A_948 = tpu.vector_load %arg13[%get3A_947] {strides = array<i32>} : memref<2048xf32, #tpu.memory_space<vmem>>, vector<16xf32>,
    %le3A_949 = arith.cmpi sle, %get3A_942, %min3A_936 : vector<16xi32>
    %select_n3A_950 = arith.select %le3A_949, %get3A_948, %select_n3A_935 : vector<16xi1>, vector<16xf32>
    %min3A_951 = arith.minsi %get3A_942, %min3A_936 : vector<16xi32>
    %add3A_952 = arith.constant 896 : i32
    %add3A_953 = arith.addi %add3A_952, %mul3A_114 : i32
    %add3A_954 = arith.constant 16 : i32
    %add3A_955 = arith.addi %add3A_953, %add3A_954 : i32
    %get3A_956 = arith.index_cast %add3A_955 : i32 to index
    %get3A_957 = tpu.vector_load %arg12[%get3A_956] {strides = array<i32>} : memref<2048xi32, #tpu.memory_space<vmem>>, vector<16xi32>,
    %add3A_958 = arith.constant 896 : i32
    %add3A_959 = arith.addi %add3A_958, %mul3A_114 : i32
    %add3A_960 = arith.constant 16 : i32
    %add3A_961 = arith.addi %add3A_959, %add3A_960 : i32
    %get3A_962 = arith.index_cast %add3A_961 : i32 to index
    %get3A_963 = tpu.vector_load %arg13[%get3A_962] {strides = array<i32>} : memref<2048xf32, #tpu.memory_space<vmem>>, vector<16xf32>,
    %le3A_964 = arith.cmpi sle, %get3A_957, %min3A_951 : vector<16xi32>
    %select_n3A_965 = arith.select %le3A_964, %get3A_963, %select_n3A_950 : vector<16xi1>, vector<16xf32>
    %min3A_966 = arith.minsi %get3A_957, %min3A_951 : vector<16xi32>
    %add3A_967 = arith.constant 1024 : i32
    %add3A_968 = arith.addi %add3A_967, %mul3A_114 : i32
    %add3A_969 = arith.constant 16 : i32
    %add3A_970 = arith.addi %add3A_968, %add3A_969 : i32
    %get3A_971 = arith.index_cast %add3A_970 : i32 to index
    %get3A_972 = tpu.vector_load %arg12[%get3A_971] {strides = array<i32>} : memref<2048xi32, #tpu.memory_space<vmem>>, vector<16xi32>,
    %add3A_973 = arith.constant 1024 : i32
    %add3A_974 = arith.addi %add3A_973, %mul3A_114 : i32
    %add3A_975 = arith.constant 16 : i32
    %add3A_976 = arith.addi %add3A_974, %add3A_975 : i32
    %get3A_977 = arith.index_cast %add3A_976 : i32 to index
    %get3A_978 = tpu.vector_load %arg13[%get3A_977] {strides = array<i32>} : memref<2048xf32, #tpu.memory_space<vmem>>, vector<16xf32>,
    %le3A_979 = arith.cmpi sle, %get3A_972, %min3A_966 : vector<16xi32>
    %select_n3A_980 = arith.select %le3A_979, %get3A_978, %select_n3A_965 : vector<16xi1>, vector<16xf32>
    %min3A_981 = arith.minsi %get3A_972, %min3A_966 : vector<16xi32>
    %add3A_982 = arith.constant 1152 : i32
    %add3A_983 = arith.addi %add3A_982, %mul3A_114 : i32
    %add3A_984 = arith.constant 16 : i32
    %add3A_985 = arith.addi %add3A_983, %add3A_984 : i32
    %get3A_986 = arith.index_cast %add3A_985 : i32 to index
    %get3A_987 = tpu.vector_load %arg12[%get3A_986] {strides = array<i32>} : memref<2048xi32, #tpu.memory_space<vmem>>, vector<16xi32>,
    %add3A_988 = arith.constant 1152 : i32
    %add3A_989 = arith.addi %add3A_988, %mul3A_114 : i32
    %add3A_990 = arith.constant 16 : i32
    %add3A_991 = arith.addi %add3A_989, %add3A_990 : i32
    %get3A_992 = arith.index_cast %add3A_991 : i32 to index
    %get3A_993 = tpu.vector_load %arg13[%get3A_992] {strides = array<i32>} : memref<2048xf32, #tpu.memory_space<vmem>>, vector<16xf32>,
    %le3A_994 = arith.cmpi sle, %get3A_987, %min3A_981 : vector<16xi32>
    %select_n3A_995 = arith.select %le3A_994, %get3A_993, %select_n3A_980 : vector<16xi1>, vector<16xf32>
    %min3A_996 = arith.minsi %get3A_987, %min3A_981 : vector<16xi32>
    %add3A_997 = arith.constant 1280 : i32
    %add3A_998 = arith.addi %add3A_997, %mul3A_114 : i32
    %add3A_999 = arith.constant 16 : i32
    %add3A_1000 = arith.addi %add3A_998, %add3A_999 : i32
    %get3A_1001 = arith.index_cast %add3A_1000 : i32 to index
    %get3A_1002 = tpu.vector_load %arg12[%get3A_1001] {strides = array<i32>} : memref<2048xi32, #tpu.memory_space<vmem>>, vector<16xi32>,
    %add3A_1003 = arith.constant 1280 : i32
    %add3A_1004 = arith.addi %add3A_1003, %mul3A_114 : i32
    %add3A_1005 = arith.constant 16 : i32
    %add3A_1006 = arith.addi %add3A_1004, %add3A_1005 : i32
    %get3A_1007 = arith.index_cast %add3A_1006 : i32 to index
    %get3A_1008 = tpu.vector_load %arg13[%get3A_1007] {strides = array<i32>} : memref<2048xf32, #tpu.memory_space<vmem>>, vector<16xf32>,
    %le3A_1009 = arith.cmpi sle, %get3A_1002, %min3A_996 : vector<16xi32>
    %select_n3A_1010 = arith.select %le3A_1009, %get3A_1008, %select_n3A_995 : vector<16xi1>, vector<16xf32>
    %min3A_1011 = arith.minsi %get3A_1002, %min3A_996 : vector<16xi32>
    %add3A_1012 = arith.constant 1408 : i32
    %add3A_1013 = arith.addi %add3A_1012, %mul3A_114 : i32
    %add3A_1014 = arith.constant 16 : i32
    %add3A_1015 = arith.addi %add3A_1013, %add3A_1014 : i32
    %get3A_1016 = arith.index_cast %add3A_1015 : i32 to index
    %get3A_1017 = tpu.vector_load %arg12[%get3A_1016] {strides = array<i32>} : memref<2048xi32, #tpu.memory_space<vmem>>, vector<16xi32>,
    %add3A_1018 = arith.constant 1408 : i32
    %add3A_1019 = arith.addi %add3A_1018, %mul3A_114 : i32
    %add3A_1020 = arith.constant 16 : i32
    %add3A_1021 = arith.addi %add3A_1019, %add3A_1020 : i32
    %get3A_1022 = arith.index_cast %add3A_1021 : i32 to index
    %get3A_1023 = tpu.vector_load %arg13[%get3A_1022] {strides = array<i32>} : memref<2048xf32, #tpu.memory_space<vmem>>, vector<16xf32>,
    %le3A_1024 = arith.cmpi sle, %get3A_1017, %min3A_1011 : vector<16xi32>
    %select_n3A_1025 = arith.select %le3A_1024, %get3A_1023, %select_n3A_1010 : vector<16xi1>, vector<16xf32>
    %min3A_1026 = arith.minsi %get3A_1017, %min3A_1011 : vector<16xi32>
    %add3A_1027 = arith.constant 1536 : i32
    %add3A_1028 = arith.addi %add3A_1027, %mul3A_114 : i32
    %add3A_1029 = arith.constant 16 : i32
    %add3A_1030 = arith.addi %add3A_1028, %add3A_1029 : i32
    %get3A_1031 = arith.index_cast %add3A_1030 : i32 to index
    %get3A_1032 = tpu.vector_load %arg12[%get3A_1031] {strides = array<i32>} : memref<2048xi32, #tpu.memory_space<vmem>>, vector<16xi32>,
    %add3A_1033 = arith.constant 1536 : i32
    %add3A_1034 = arith.addi %add3A_1033, %mul3A_114 : i32
    %add3A_1035 = arith.constant 16 : i32
    %add3A_1036 = arith.addi %add3A_1034, %add3A_1035 : i32
    %get3A_1037 = arith.index_cast %add3A_1036 : i32 to index
    %get3A_1038 = tpu.vector_load %arg13[%get3A_1037] {strides = array<i32>} : memref<2048xf32, #tpu.memory_space<vmem>>, vector<16xf32>,
    %le3A_1039 = arith.cmpi sle, %get3A_1032, %min3A_1026 : vector<16xi32>
    %select_n3A_1040 = arith.select %le3A_1039, %get3A_1038, %select_n3A_1025 : vector<16xi1>, vector<16xf32>
    %min3A_1041 = arith.minsi %get3A_1032, %min3A_1026 : vector<16xi32>
    %add3A_1042 = arith.constant 1664 : i32
    %add3A_1043 = arith.addi %add3A_1042, %mul3A_114 : i32
    %add3A_1044 = arith.constant 16 : i32
    %add3A_1045 = arith.addi %add3A_1043, %add3A_1044 : i32
    %get3A_1046 = arith.index_cast %add3A_1045 : i32 to index
    %get3A_1047 = tpu.vector_load %arg12[%get3A_1046] {strides = array<i32>} : memref<2048xi32, #tpu.memory_space<vmem>>, vector<16xi32>,
    %add3A_1048 = arith.constant 1664 : i32
    %add3A_1049 = arith.addi %add3A_1048, %mul3A_114 : i32
    %add3A_1050 = arith.constant 16 : i32
    %add3A_1051 = arith.addi %add3A_1049, %add3A_1050 : i32
    %get3A_1052 = arith.index_cast %add3A_1051 : i32 to index
    %get3A_1053 = tpu.vector_load %arg13[%get3A_1052] {strides = array<i32>} : memref<2048xf32, #tpu.memory_space<vmem>>, vector<16xf32>,
    %le3A_1054 = arith.cmpi sle, %get3A_1047, %min3A_1041 : vector<16xi32>
    %select_n3A_1055 = arith.select %le3A_1054, %get3A_1053, %select_n3A_1040 : vector<16xi1>, vector<16xf32>
    %min3A_1056 = arith.minsi %get3A_1047, %min3A_1041 : vector<16xi32>
    %add3A_1057 = arith.constant 1792 : i32
    %add3A_1058 = arith.addi %add3A_1057, %mul3A_114 : i32
    %add3A_1059 = arith.constant 16 : i32
    %add3A_1060 = arith.addi %add3A_1058, %add3A_1059 : i32
    %get3A_1061 = arith.index_cast %add3A_1060 : i32 to index
    %get3A_1062 = tpu.vector_load %arg12[%get3A_1061] {strides = array<i32>} : memref<2048xi32, #tpu.memory_space<vmem>>, vector<16xi32>,
    %add3A_1063 = arith.constant 1792 : i32
    %add3A_1064 = arith.addi %add3A_1063, %mul3A_114 : i32
    %add3A_1065 = arith.constant 16 : i32
    %add3A_1066 = arith.addi %add3A_1064, %add3A_1065 : i32
    %get3A_1067 = arith.index_cast %add3A_1066 : i32 to index
    %get3A_1068 = tpu.vector_load %arg13[%get3A_1067] {strides = array<i32>} : memref<2048xf32, #tpu.memory_space<vmem>>, vector<16xf32>,
    %le3A_1069 = arith.cmpi sle, %get3A_1062, %min3A_1056 : vector<16xi32>
    %select_n3A_1070 = arith.select %le3A_1069, %get3A_1068, %select_n3A_1055 : vector<16xi1>, vector<16xf32>
    %min3A_1071 = arith.minsi %get3A_1062, %min3A_1056 : vector<16xi32>
    %add3A_1072 = arith.constant 1920 : i32
    %add3A_1073 = arith.addi %add3A_1072, %mul3A_114 : i32
    %add3A_1074 = arith.constant 16 : i32
    %add3A_1075 = arith.addi %add3A_1073, %add3A_1074 : i32
    %get3A_1076 = arith.index_cast %add3A_1075 : i32 to index
    %get3A_1077 = tpu.vector_load %arg12[%get3A_1076] {strides = array<i32>} : memref<2048xi32, #tpu.memory_space<vmem>>, vector<16xi32>,
    %add3A_1078 = arith.constant 1920 : i32
    %add3A_1079 = arith.addi %add3A_1078, %mul3A_114 : i32
    %add3A_1080 = arith.constant 16 : i32
    %add3A_1081 = arith.addi %add3A_1079, %add3A_1080 : i32
    %get3A_1082 = arith.index_cast %add3A_1081 : i32 to index
    %get3A_1083 = tpu.vector_load %arg13[%get3A_1082] {strides = array<i32>} : memref<2048xf32, #tpu.memory_space<vmem>>, vector<16xf32>,
    %le3A_1084 = arith.cmpi sle, %get3A_1077, %min3A_1071 : vector<16xi32>
    %select_n3A_1085 = arith.select %le3A_1084, %get3A_1083, %select_n3A_1070 : vector<16xi1>, vector<16xf32>
    %min3A_1086 = arith.minsi %get3A_1077, %min3A_1071 : vector<16xi32>
    %mul3A_1087 = arith.constant 4 : i32
    %mul3A_1088 = vector.broadcast %mul3A_1087 : i32 to vector<16xi32>
    %mul3A_1089 = arith.muli %iota3A, %mul3A_1088 : vector<16xi32>
    %add3A_1090 = arith.constant 67 : i32
    %add3A_1091 = vector.broadcast %add3A_1090 : i32 to vector<16xi32>
    %add3A_1092 = arith.addi %mul3A_1089, %add3A_1091 : vector<16xi32>
    tpu.vector_store_idx %arg14[%add3A_1092], %select_n3A_1085 : memref<128xf32, #tpu.memory_space<vmem>>[vector<16xi32>], vector<16xf32>,
    %mul3A_1093 = arith.constant 32 : i32
    %mul3A_1094 = arith.muli %add3A, %mul3A_1093 : i32
    %mul3A_1095 = arith.constant 4 : i32
    %mul3A_1096 = arith.muli %mul3A_1094, %mul3A_1095 : i32
    "tpu.region"() ({
      %run_scoped3A = tpu.sem_alloc : memref<!tpu.dma_semaphore, #tpu.memory_space<semaphore_mem>>
      %dma_start3A_1097 = tpu.memref_slice %arg4[%mul3A_1096] : memref<4096xf32, #tpu.memory_space<hbm>> -> memref<128xf32, #tpu.memory_space<hbm>>
      %dma_start3A_1098 = tpu.memref_slice %arg4[%mul3A_1096] : memref<4096xf32, #tpu.memory_space<hbm>> -> memref<128xf32, #tpu.memory_space<hbm>>
      tpu.enqueue_dma source(%arg14 : memref<128xf32, #tpu.memory_space<vmem>>) target(%dma_start3A_1098 : memref<128xf32, #tpu.memory_space<hbm>>) target_semaphore(%run_scoped3A : memref<!tpu.dma_semaphore, #tpu.memory_space<semaphore_mem>>)
      %dma_wait3A_1099 = tpu.memref_slice %arg4[%mul3A_1096] : memref<4096xf32, #tpu.memory_space<hbm>> -> memref<128xf32, #tpu.memory_space<hbm>>
      %dma_wait3A_1100 = tpu.memref_slice %arg4[%mul3A_1096] : memref<4096xf32, #tpu.memory_space<hbm>> -> memref<128xf32, #tpu.memory_space<hbm>>
      tpu.wait_dma2 semaphore(%run_scoped3A : memref<!tpu.dma_semaphore, #tpu.memory_space<semaphore_mem>>) src(%arg14 : memref<128xf32, #tpu.memory_space<vmem>>) dst(%dma_wait3A_1100 : memref<128xf32, #tpu.memory_space<hbm>>)
      tpu.yield
    }) : () -> ()
    return
  }
}

</mosaic_0001>

<sc_bundles>
// kernel: kernel.3.cloned.1.call-start
scs
__scs_entry_jumppad:
0x0: {  	(pc) =	sbr.rel $0x88, $3  }
0x1: {  	(tag) =	ssettag $0x0;
	lr =	simm.s32 $0x1  }
0x2: {  	[smem:$0x3F9F] =	sst lr;
	_ =	strace $0xD0000000  }
0x3: {  	_ = 	snop  }
0x4: {  	_ = 	snop  }
0x5: {  	_ = 	snop  }
0x6: {  	_ = 	snop  }
0x7: {  	_ = 	snop  }
__scs_overlays_trampoline_lowered:
0x8: {  	[smem:$0x3FAE] =	sst s0  }
0x9: {  	[smem:$0x3FAF] =	sst s1  }
0xa: {  	[smem:$0x3FB0] =	sst s2  }
0xb: {  	[smem:$0x3FB1] =	sst s3  }
0xc: {  	[smem:$0x3FB2] =	sst s4  }
0xd: {  	[smem:$0x3FB3] =	sst s5  }
0xe: {  	[smem:$0x3FB4] =	sst s6  }
0xf: {  	[smem:$0x3FB5] =	sst s7  }
0x10: {  	[smem:$0x3FB6] =	sst s8  }
0x11: {  	[smem:$0x3FB7] =	sst s9;
	s0 =	simm.s32 @!p0 $0x0  }
0x12: {  	s1 =	sld [smem:$0x3F9D];
	s0 =	simm.s32 @p0 $0x1  }
0x13: {  	[smem:$0x3FB8] =	sst s0;
	s0 =	simm.s32 @!p1 $0x0  }
0x14: {  	s2 =	sld [smem:$0x3F9C];
	s0 =	simm.s32 @p1 $0x1  }
0x15: {  	[smem:$0x3FB9] =	sst s0;
	s0 =	simm.s32 @!p2 $0x0  }
0x16: {  	s3 =	sld [smem:$0x3FDB];
	s0 =	simm.s32 @p2 $0x1  }
0x17: {  	s4 =	simm.s32 $0x1BF5;
	[smem:$0x3FBB] =	sst s0  }
0x18: {  	s0 =	sld [smem:$0x3F9E];
	_ =	swait.ge [sflag:s4], $0x0  }
0x19: {  	s7 =	sld [smem:$0x3F9F]  }
0x1a: {  	s8 =	sadd.s32 $0xFFFFE003, lr  }
0x1b: {  	s9 =	sadd.s32 $0xFFFFFEF7, lr;
	s5 =	simm.s32 $0xFFFFFFFF;
	p2 =	slt.u32 s8, $0xFFFFF086  }
0x1c: {  	p1 =	slt.u32 s9, $0xF7A;
	s5 =	simm.s32 @!p2 $0x0  }
0x1d: {  	s5 =	simm.s32 @p1 $0x1;
	p0 =	seq.s32 s7, s2  }
0x1e: {  	s7 =	smul.u32 @!p0 $0xF7A, s2;
	p2 =	seq.s32 @!p0 s5, $0x0  }
0x1f: {  	s9 =	smul.u32 $0xF7A, s1;
	s8 =	simm.s32 @!p0 $0x1BF5;
	p2 =	por !p2, p0  }
0x20: {  	[sflag:s8] =	ssyncset.s32 @!p0 $0xFFFFF086;
	s6 =	sadd.s32 @!p0 s3, s7;
	s7 =	simm.s32 @!p0 $0x108  }
0x21: {  	s3 =	sadd.s32 s3, s9;
	s6 =	sadd.s32 @!p0 $0x88, s6;
	s7 =	simm.s32 @p2 $0x1082  }
0x22: {  	[simem:s7], [sflag:s8] =	dma.local @!p0 [hbm:s6], $0xF7A  }
0x23: {  	s9 =	sor.u32 $0xD0000000, s2;
	s6 =	simm.s32 $0x108;
	_ =	swait.ge @!p0 [sflag:s8], $0x0  }
0x24: {  	s3 =	sadd.s32 $0x88, s3;
	s6 =	simm.s32 @!p1 $0x1082;
	[sflag:s4] =	ssyncset.s32 $0xFFFFF086  }
0x25: {  	[simem:s6], [sflag:s4] =	dma.local [hbm:s3], $0xF7A  }
0x26: {  	[smem:$0x3F9F] =	sst s1;
	(tag) =	ssettag s2;
	_ =	strace s9  }
0x27: {  	s1 =	sld [smem:$0x3FAF]  }
0x28: {  	s2 =	sld [smem:$0x3FB0]  }
0x29: {  	s4 =	sld [smem:$0x3FB2]  }
0x2a: {  	p0 =	seq.s32 s5, $0x0;
	s5 =	sld [smem:$0x3FB3]  }
0x2b: {  	s6 =	sld [smem:$0x3FB4]  }
0x2c: {  	s7 =	sld [smem:$0x3FB5]  }
0x2d: {  	s3 =	simm.s32 $0x108;
	s8 =	sld [smem:$0x3FB6]  }
0x2e: {  	s3 =	simm.s32 @!p0 $0x1082;
	s9 =	sld [smem:$0x3FB7]  }
0x2f: {  	lr =	sadd.s32 s0, s3;
	s0 =	sld [smem:$0x3FAE]  }
0x30: {  	s3 =	sld [smem:$0x3FB1]  }
0x31: {  	[smem:$0x3FBA] =	sst s10  }
0x32: {  	s10 =	sld [smem:$0x3FB8];
	_ =	sdelay $0x3  }
0x33: {  	p0 =	seq.s32 s10, $0x1;
	s10 =	sld [smem:$0x3FBA];
	_ =	sdelay $0x3  }
0x34: {  	[smem:$0x3FBA] =	sst s10  }
0x35: {  	s10 =	sld [smem:$0x3FB9];
	_ =	sdelay $0x3  }
0x36: {  	p1 =	seq.s32 s10, $0x1;
	s10 =	sld [smem:$0x3FBA];
	_ =	sdelay $0x3  }
0x37: {  	[smem:$0x3FBA] =	sst s10  }
0x38: {  	s10 =	sld [smem:$0x3FBB]  }
0x39: {  	_ = 	snop;
	(pc) =	sbr.ind lr, $3  }
0x3a: {  	_ = 	snop  }
0x3b: {  	_ = 	snop  }
0x3c: {  	p2 =	seq.s32 s10, $0x1;
	s10 =	sld [smem:$0x3FBA]  }
0x3d: {  	_ =	shalt  }
0x3e: {  	_ =	shalt  }
0x3f: {  	_ =	shalt  }
0x40: {  	_ =	shalt  }
0x41: {  	_ =	shalt  }
0x42: {  	_ =	shalt  }
0x43: {  	_ =	shalt  }
0x44: {  	_ =	shalt  }
0x45: {  	_ =	shalt  }
0x46: {  	_ =	shalt  }
0x47: {  	_ =	shalt  }
0x48: {  	_ =	shalt  }
0x49: {  	_ =	shalt  }
0x4a: {  	_ =	shalt  }
0x4b: {  	_ =	shalt  }
0x4c: {  	_ =	shalt  }
0x4d: {  	_ =	shalt  }
0x4e: {  	_ =	shalt  }
0x4f: {  	_ =	shalt  }
0x50: {  	_ =	shalt  }
0x51: {  	_ =	shalt  }
0x52: {  	_ =	shalt  }
0x53: {  	_ =	shalt  }
0x54: {  	_ =	shalt  }
0x55: {  	_ =	shalt  }
0x56: {  	_ =	shalt  }
0x57: {  	_ =	shalt  }
0x58: {  	_ =	shalt  }
0x59: {  	_ =	shalt  }
0x5a: {  	_ =	shalt  }
0x5b: {  	_ =	shalt  }
0x5c: {  	_ =	shalt  }
0x5d: {  	_ =	shalt  }
0x5e: {  	_ =	shalt  }
0x5f: {  	_ =	shalt  }
0x60: {  	_ =	shalt  }
0x61: {  	_ =	shalt  }
0x62: {  	_ =	shalt  }
0x63: {  	_ =	shalt  }
0x64: {  	_ =	shalt  }
0x65: {  	_ =	shalt  }
0x66: {  	_ =	shalt  }
0x67: {  	_ =	shalt  }
0x68: {  	_ =	shalt  }
0x69: {  	_ =	shalt  }
0x6a: {  	_ =	shalt  }
0x6b: {  	_ =	shalt  }
0x6c: {  	_ =	shalt  }
0x6d: {  	_ =	shalt  }
0x6e: {  	_ =	shalt  }
0x6f: {  	_ =	shalt  }
0x70: {  	_ =	shalt  }
0x71: {  	_ =	shalt  }
0x72: {  	_ =	shalt  }
0x73: {  	_ =	shalt  }
0x74: {  	_ =	shalt  }
0x75: {  	_ =	shalt  }
0x76: {  	_ =	shalt  }
0x77: {  	_ =	shalt  }
0x78: {  	_ =	shalt  }
0x79: {  	_ =	shalt  }
0x7a: {  	_ =	shalt  }
0x7b: {  	_ =	shalt  }
0x7c: {  	_ =	shalt  }
0x7d: {  	_ =	shalt  }
0x7e: {  	_ =	shalt  }
0x7f: {  	_ =	shalt  }
0x80: {  	_ =	shalt  }
0x81: {  	_ =	shalt  }
0x82: {  	_ =	shalt  }
0x83: {  	_ =	shalt  }
0x84: {  	_ =	shalt  }
0x85: {  	_ =	shalt  }
0x86: {  	_ =	shalt  }
0x87: {  	_ =	shalt  }
.Lfunc_end0:
.L_simem_size_0:
called_computation_lowered:
.L_overlay_start_0:
0x88: {  	s2 =	sld [smem:$0x3FD9]  }
0x89: {  	s3 =	sld [smem:$0x3FFE];
	_ =	sdelay $0x1  }
0x8a: {  	s1 =	srdreg.scid  }
0x8b: {  	s0 =	sand.u32 $0x1, s1  }
0x8c: {  	s17 =	sshll.u32 s0, $0xA;
	s2 =	sadd.s32 s3, s2  }
0x8d: {  	s2 =	sadd.s32 s2, s17  }
0x8e: {  	[smem:$0x3FC6] =	sst s2  }
0x8f: {  	_ = 	snop  }
0x90: {  	s2 =	sld [smem:$0x3FC8]  }
0x91: {  	s18 =	sld [smem:$0x3FD0];
	(tm) =	ssettm $0x1  }
0x92: {  	s4 =	sld [smem:$0x3FFB];
	_ =	sdelay $0x3  }
0x93: {  	_ =	strace s4  }
0x94: {  	s4 =	sld [smem:$0x3FFC];
	_ =	sdelay $0x3  }
0x95: {  	_ =	strace s4  }
0x96: {  	s4 =	sld [smem:$0x3FFD];
	_ =	sdelay $0x3  }
0x97: {  	_ =	strace s4  }
0x98: {  	_ =	strace $0x8FFFFFFF  }
0x99: {  	s19 =	sld [smem:$0x3FDB];
	_ =	sdelay $0x1  }
0x9a: {  	s5 =	simm.s32 $_scs_section_size  }
0x9b: {  	s6 =	simm.s32 $_size__tile_overlayer_lowered;
	s7 =	simm.s32 $_tile_overlayer_lowered  }
0x9c: {  	s22 =	simm.s32 $0x1BFF;
	s21 =	sshll.u32 s7, $0x1;
	s4 =	sadd.s32 s5, s19  }
0x9d: {  	s8 =	simm.s32 $0x0;
	s20 =	sshll.u32 s6, $0x1;
	s6 =	sadd.s32 s21, s4  }
0x9e: {  	[timem:s8], [sflag:s22] =	dma.local [hbm:s6], s20  }
0x9f: {  	_ =	swait.ge [sflag:s22], s20  }
0xa0: {  	s5 =	ssub.s32 $0x0, s20;
	[sflag:s22] =	ssyncset.done $0x0  }
0xa1: {  	[sflag:s22] =	ssyncadd.s32 s5;
	_ =	sdelay $0x1  }
0xa2: {  	s23 =	simm.s32 $0x1B8B  }
0xa3: {  	_ =	swait.ge [sflag:s23], $0x1  }
0xa4: {  	[sflag:s23] =	ssyncset.done $0x0  }
0xa5: {  	s25 =	simm.s32 $0x1B8E;
	s24 =	sld [smem:$0x3FFE];
	[sflag:s23] =	ssyncadd.s32 $0xFFFFFFFF  }
0xa6: {  	s26 =	simm.s32 $execute0_lowered;
	[smem:$0x3FD2] =	sst s25  }
0xa7: {  	s6 =	sshll.u32 s26, $0x1;
	_ =	strace $0x80000046;
	[dreg:$0x1] =	wrdreg $0xFFFFFFFF  }
0xa8: {  	s28 =	simm.s32 $_size_execute0_lowered;
	s4 =	sadd.s32 s4, s6;
	[dreg:$0x0] =	wrdreg $0x0  }
0xa9: {  	s6 =	sshll.u32 s28, $0x1;
	[dreg:$0x2] =	wrdreg s4  }
0xaa: {  	[dreg:$0x3] =	wrdreg s6  }
0xab: {  	[dreg:$0x4] =	wrdreg $0xC0  }
0xac: {  	_ =	task [dreg:s8], $0x5FFFF  }
0xad: {  	[dreg:$0x1] =	wrdreg $0xFFFFFFFF  }
0xae: {  	[dreg:$0x0] =	wrdreg $0x60  }
0xaf: {  	[dreg:$0x2] =	wrdreg s2  }
0xb0: {  	[dreg:$0x3] =	wrdreg s24  }
0xb1: {  	[dreg:$0x4] =	wrdreg s18  }
0xb2: {  	[dreg:$0x5] =	wrdreg $0x2A000  }
0xb3: {  	[dreg:$0x6] =	wrdreg $0x2E000  }
0xb4: {  	[dreg:$0x7] =	wrdreg $0x9  }
0xb5: {  	_ =	task.clear_ibuf [dreg:s8], $0x8FFFF;
	_ =	strace $0x90000046  }
0xb6: {  	s29 =	simm.s32 $0x9;
	_ =	strace $0x80000048  }
0xb7: {  	_ =	swait.ge [sflag:s29], $0x1  }
0xb8: {  	[sflag:s29] =	ssyncadd.s32 $0xFFFFFFFF  }
0xb9: {  	_ =	strace $0x90000048  }
0xba: {  	_ =	sfence  }
0xbb: {  	s30 =	sld [smem:$0x0];
	_ =	sdelay $0x2  }
0xbc: {  	s31 =	sshll.u32 s1, $0xD;
	s1 =	sshrl.u32 s1, $0x2  }
0xbd: {  	s3 =	sand.u32 $0x4000, s31;
	s1 =	sadd.s32 s1, s30  }
0xbe: {  	s0 =	sor.u32 s3, s0;
	s1 =	sshll.u32 s1, $0x11  }
0xbf: {  	s0 =	sor.u32 s1, s0  }
0xc0: {  	s0 =	sadd.s32 $0x8F2B, s0  }
0xc1: {  	[sflag:s0] =	ssyncadd.remote.s32 $0x1  }
0xc2: {  	_ =	sfence.sel $0xFFFF  }
0xc3: {  	[dreg:$0x0] =	wrdreg $0xFFFFFFFF;
	(pc) =	sbr.abs _section_cstart, $3  }
0xc4: {  	[dreg:$0x1] =	wrdreg $0xFFFFFFFF  }
0xc5: {  	_ =	task.clear_ibuf [dreg:s8], $0x2FFFF;
	_ =	strace $0x9FFFFFFF  }
0xc6: {  	(tm) =	ssettm $0x7FFFFFFF  }
0xc7: {  	_ =	shalt  }
tec
execute0_lowered:
.L_overlay_start_1:
0x0: {  	(tag) =	ssettag $0x1  }
0x1: {  	s0 =	srdreg.scid  }
0x2: {  	s3 =	sand.u32 $0x1, s0  }
0x3: {  	s2 =	stileid.u32;
	s0 =	sshll.u32 s3, $0x4  }
0x4: {  	s1 =	sand.u32 $0x3, s2;
	s4 =	sor.u32 s2, s0  }
0x5: {  	p1 =	sne.s32 s1, $0x0;
	p0 =	seq.s32 s4, $0x0  }
0x6: {  	p0 =	por !p1, !p0  }
0x7: {  	s5 =	rddreg [dreg:$0x3];
	s7 =	simm.s32 $0x1;
	p0 =	por !p0, !p0  }
0x8: {  	s10 =	sshll.u32 s2, $0xA;
	s8 =	sshrl.u32 s4, $0x2;
	s7 =	simm.s32 @!p0 $0x0  }
0x9: {  	s6 =	rddreg [dreg:$0x4];
	s11 =	sadd.s32 s10, s5;
	s7 =	ssub.s32 s8, s7  }
0xa: {  	s0 =	simm.s32 $0x0;
	[dreg:$0x6] =	wrdreg s11;
	s7 =	sshll.u32 s7, $0x7  }
0xb: {  	[smem:$0x7FF] =	sst s0;
	s8 =	sadd.s32 s10, s6;
	s12 =	sadd.s32 $0x400, s7  }
0xc: {  	[dreg:$0x7] =	wrdreg s8;
	s13 =	sadd.s32 s12, s5  }
0xd: {  	s14 =	sadd.s32 $0x800, s7;
	s8 =	sadd.s32 s12, s6;
	[dreg:$0x8] =	wrdreg s13  }
0xe: {  	s16 =	sadd.s32 $0xC00, s7;
	s15 =	sadd.s32 s14, s5;
	[dreg:$0x9] =	wrdreg s8  }
0xf: {  	s18 =	sadd.s32 $0x1000, s7;
	s17 =	sadd.s32 s16, s5;
	[dreg:$0xa] =	wrdreg s15  }
0x10: {  	s20 =	sadd.s32 $0x1400, s7;
	s19 =	sadd.s32 s18, s5;
	[dreg:$0xc] =	wrdreg s17  }
0x11: {  	s22 =	sadd.s32 $0x1800, s7;
	s21 =	sadd.s32 s20, s5;
	[dreg:$0xe] =	wrdreg s19  }
0x12: {  	s24 =	sadd.s32 $0x1C00, s7;
	s23 =	sadd.s32 s22, s5;
	[dreg:$0x10] =	wrdreg s21  }
0x13: {  	s26 =	sadd.s32 $0x2000, s7;
	s25 =	sadd.s32 s24, s5;
	[dreg:$0x12] =	wrdreg s23  }
0x14: {  	s29 =	sadd.s32 $0x2400, s7;
	s28 =	sadd.s32 s26, s5;
	[dreg:$0x14] =	wrdreg s25  }
0x15: {  	s11 =	sadd.s32 $0x2800, s7;
	s10 =	sadd.s32 s29, s5;
	[dreg:$0x16] =	wrdreg s28  }
0x16: {  	s12 =	sadd.s32 s11, s5;
	[dreg:$0x18] =	wrdreg s10  }
0x17: {  	[dreg:$0x1a] =	wrdreg s12  }
0x18: {  	s8 =	sadd.s32 s14, s6;
	s25 =	rddreg [dreg:$0x0]  }
0x19: {  	s19 =	sadd.s32 s7, s5;
	[dreg:$0xb] =	wrdreg s8  }
0x1a: {  	s13 =	sadd.s32 $0x2C00, s7;
	s8 =	sadd.s32 s16, s6;
	[smem:$0x7E1] =	sst s19  }
0x1b: {  	s15 =	sadd.s32 $0x3000, s7;
	s14 =	sadd.s32 s13, s5;
	[dreg:$0xd] =	wrdreg s8  }
0x1c: {  	s16 =	sadd.s32 s15, s5;
	[dreg:$0x1c] =	wrdreg s14  }
0x1d: {  	s17 =	sadd.s32 $0x3400, s7;
	s8 =	sadd.s32 s18, s6;
	[dreg:$0x1e] =	wrdreg s16  }
0x1e: {  	s18 =	sadd.s32 s17, s5;
	[dreg:$0xf] =	wrdreg s8  }
0x1f: {  	s8 =	sadd.s32 s20, s6;
	[smem:$0x7DF] =	sst s18  }
0x20: {  	s20 =	sadd.s32 s7, s6;
	[dreg:$0x11] =	wrdreg s8  }
0x21: {  	s21 =	sadd.s32 $0x3800, s7;
	s8 =	sadd.s32 s22, s6;
	[smem:$0x7E2] =	sst s20  }
0x22: {  	s7 =	sadd.s32 $0x3C00, s7;
	s22 =	sadd.s32 s21, s5;
	[dreg:$0x13] =	wrdreg s8  }
0x23: {  	s5 =	sadd.s32 s7, s5;
	[smem:$0x7E3] =	sst s22  }
0x24: {  	s23 =	sadd.s32 s7, s6;
	[smem:$0x7E5] =	sst s5  }
0x25: {  	[smem:$0x7E6] =	sst s23  }
0x26: {  	s8 =	sadd.s32 s24, s6;
	s24 =	rddreg [dreg:$0x2]  }
0x27: {  	[dreg:$0x15] =	wrdreg s8  }
0x28: {  	s4 =	sshll.u32 s4, $0x4;
	s8 =	sadd.s32 s26, s6;
	s26 =	rddreg [dreg:$0x1]  }
0x29: {  	s4 =	sadd.s32 s24, s4;
	[dreg:$0x17] =	wrdreg s8  }
0x2a: {  	p2 =	seq.s32 s2, $0x0;
	s8 =	sadd.s32 s29, s6;
	[smem:$0x7E7] =	sst s4  }
0x2b: {  	s3 =	ssub.s32 $0x2, s3;
	[dreg:$0x19] =	wrdreg s8;
	s8 =	sadd.s32 s11, s6  }
0x2c: {  	p1 =	sne.s32 s2, $0xF;
	[dreg:$0x1b] =	wrdreg s8;
	s8 =	sadd.s32 s13, s6  }
0x2d: {  	p0 =	sne.s32 s2, $0x0;
	[dreg:$0x1d] =	wrdreg s8;
	s8 =	sadd.s32 s15, s6  }
0x2e: {  	s20 =	sshll.u32 s2, $0xB;
	[dreg:$0x1f] =	wrdreg s8;
	s8 =	sadd.s32 s17, s6  }
0x2f: {  	s2 =	sshll.u32 s2, $0x8;
	[smem:$0x7E0] =	sst s8;
	s8 =	sadd.s32 s21, s6  }
0x30: {  	s9 =	sshrl.u32 s3, $0x1;
	s28 =	sadd.s32 s25, s2;
	[smem:$0x7E4] =	sst s8  }
0x31: {  	s2 =	sadd.s32 s26, s2;
	_ =	strace $0x80000047;
	[smem:$0x7E8] =	sst s28  }
0x32: {  	s3 =	ssub.s32 s3, s9;
	s7 =	sadd.s32 $0x1000, s26;
	[smem:$0x7E9] =	sst s2  }
0x33: {  	s9 =	smax.u32 s3, $0x1;
	s10 =	sshll.u32 s1, $0x5;
	[smem:$0x7EA] =	sst s7  }
0x34: {  	s11 =	sor.u32 $0x80, s10;
	[smem:$0x7EC] =	sst s9  }
0x35: {  	s13 =	sor.u32 $0x100, s10;
	[smem:$0x7ED] =	sst s11  }
0x36: {  	s12 =	simm.s32 $0x1;
	s14 =	sor.u32 $0x180, s10;
	[smem:$0x7EE] =	sst s13  }
0x37: {  	s19 =	sor.u32 $0x400, s10;
	s15 =	sor.u32 $0x200, s10;
	[smem:$0x7EF] =	sst s14  }
0x38: {  	s30 =	sor.u32 $0x90, s10;
	s16 =	sor.u32 $0x280, s10;
	[smem:$0x7F0] =	sst s15  }
0x39: {  	s31 =	sor.u32 $0x110, s10;
	s17 =	sor.u32 $0x300, s10;
	[smem:$0x7F1] =	sst s16  }
0x3a: {  	s1 =	sor.u32 $0x190, s10;
	s18 =	sor.u32 $0x380, s10;
	[smem:$0x7F2] =	sst s17  }
0x3b: {  	s3 =	sor.u32 $0x290, s10;
	s22 =	sor.u32 $0x500, s10;
	[smem:$0x7F3] =	sst s18  }
0x3c: {  	v0 =	vimm.s32 $0xEDCBA987;
	s23 =	sor.u32 $0x580, s10;
	s21 =	sor.u32 $0x480, s10;
	[smem:$0x7F4] =	sst s19  }
0x3d: {  	v1 =	vimm.s32 $0x65432100;
	vm0 =	vmxor vm0, vm0;
	s5 =	sor.u32 $0x390, s10;
	s24 =	sor.u32 $0x600, s10;
	[smem:$0x7F5] =	sst s21  }
0x3e: {  	vm1 =	vmmov $0x1;
	vm2 =	vcmask $0x1F18;
	vm3 =	vcmask $0xF08;
	s29 =	sadd.s32 $0xFFFFFF80, s20;
	s26 =	sor.u32 $0x700, s10;
	[smem:$0x7F6] =	sst s22  }
0x3f: {  	v6 =	vimm.s32 $0x4;
	v7 =	vimm.s32 $0x3E;
	vm4 =	vcmask $0x300;
	s4 =	sor.u32 $0x310, s10;
	s6 =	sor.u32 $0x410, s10;
	[smem:$0x7F7] =	sst s23  }
0x40: {  	v8 =	vimm.s32 $0x3F;
	v2 =	vunpack.c.l.s4.s8 v0;
	v3 =	vunpack.c.l.s4.s8 v1;
	s8 =	sshrl.u32 s29, $0x3;
	s29 =	sor.u32 $0x10, s10;
	[smem:$0x7F8] =	sst s24  }
0x41: {  	v0 =	vlaneseq.u32;
	vm2 =	vmor vm3, vm2;
	vm3 =	vcmask $0x2F28;
	s2 =	sadd.s32 s25, s8;
	s25 =	sor.u32 $0x680, s10;
	[smem:$0x7FA] =	sst s26  }
0x42: {  	vm0 =	vmneg @p2 vm0;
	vm2 =	vmor vm2, vm3;
	vm3 =	vcmask $0x3F38;
	s28 =	sor.u32 $0x780, s10;
	[smem:$0x7FC] =	sst s29;
	s7 =	sor.u32 $0x490, s10  }
0x43: {  	v10 =	vmul.u32 $0x4, v0;
	v4 =	vunpack.c.0.s8.s32 v2;
	v5 =	vunpack.c.0.s8.s32 v3;
	s8 =	sor.u32 $0x510, s10;
	s9 =	sor.u32 $0x590, s10;
	s11 =	sor.u32 $0x610, s10  }
0x44: {  	v2 =	vimm.s32 $0x7FFF;
	vm2 =	vmor vm2, vm3;
	vm3 =	vcmask $0x1310;
	s13 =	sor.u32 $0x690, s10;
	s14 =	sor.u32 $0x710, s10;
	s15 =	sor.u32 $0x790, s10  }
0x45: {  	v3 =	vimm.s32 $0x7FF;
	vm3 =	vmor vm4, vm3;
	vm4 =	vcmask $0x2320;
	s16 =	sor.u32 $0x80, s20;
	s17 =	sor.u32 $0x790, s20;
	[smem:$0x7EB] =	sst s2  }
0x46: {  	v9 =	vor.u32 $0x3, v10;
	v10 =	vor.u32 $0x43, v10;
	v4 =	vand.u32 $0xF, v4;
	s24 =	simm.s32 $0x1080;
	s18 =	simm.s32 $0x1180;
	[smem:$0x7F9] =	sst s25  }
0x47: {  	vm3 =	vmor vm3, vm4;
	vm4 =	vcmask $0x3330;
	v1 =	vor.u32 s20, v0;
	s19 =	simm.s32 $0x1580;
	s20 =	simm.s32 $0x0;
	[smem:$0x7FB] =	sst s28  }
0x48: {  	v4 =	vcombine.low v5, v4;
	v5 =	vimm.s32 $0x7F;
	vm3 =	vmor vm3, vm4;
	s2 =	sor.u32 $0x210, s10;
	[smem:$0x7FD] =	sst s17;
	s17 =	simm.s32 $0x1100  }
.LBB2_1:
0x49: {  	s21 =	sld [smem:$0x7E8];
	_ =	sdelay $0x1  }
0x4a: {  	s26 =	sld [smem:$0x7E9]  }
0x4b: {  	[tilespmem:s0], [sflag:$0x1] =	stream.linear.gather [hbm4b:s21+s0], $0x800, $0x38;
	[tilespmem:$0x3200] =	vst v63  }
0x4c: {  	s22 =	simm.s32 $0x800;
	s28 =	rddreg [dreg:$0x0]  }
0x4d: {  	[tilespmem:s22], [sflag:$0x1] =	stream.linear.gather [hbm4b:s26+s0], $0x800, $0x38;
	[tilespmem:$0x3200] =	vst v63  }
0x4e: {  	s29 =	sld [smem:$0x7EA]  }
0x4f: {  	[tilespmem:s24], [sflag:$0x1] =	stream.linear.gather [hbm4b:s28+s0], $0x80, $0x38;
	[tilespmem:$0x3200] =	vst v63  }
0x50: {  	s23 =	sld [smem:$0x7EB]  }
0x51: {  	[tilespmem:s17], [sflag:$0x1] =	stream.linear.gather [hbm4b:s29+s0], $0x80, $0x38;
	[tilespmem:$0x3200] =	vst v63  }
0x52: {  	s21 =	simm.s32 @p0 $0x0;
	s22 =	simm.s32 @p0 $0x1000  }
0x53: {  	[tilespmem:s22], [sflag:$0x1] =	stream.linear.gather @p0 [hbm4b:s23+s21], $0x80, $0x38;
	[tilespmem:$0x3200] =	vst v63  }
0x54: {  	s21 =	simm.s32 @p0 $0x1  }
0x55: {  	_ =	swait.ge @p0 [sflag:s21], $0x80  }
0x56: {  	[sflag:s21] =	ssyncset.done @p0 $0x0  }
0x57: {  	v11 =	vimm.s32 @!p0 $0xFFFFFFFF;
	[sflag:s21] =	ssyncadd.s32 @p0 $0xFFFFFF80  }
0x58: {  	[tilespmem:$0x1000] =	vst @!p0 v11  }
0x59: {  	[tilespmem:$0x1010] =	vst @!p0 v11  }
0x5a: {  	[tilespmem:$0x1020] =	vst @!p0 v11  }
0x5b: {  	[tilespmem:$0x1030] =	vst @!p0 v11  }
0x5c: {  	[tilespmem:$0x1040] =	vst @!p0 v11  }
0x5d: {  	[tilespmem:$0x1050] =	vst @!p0 v11  }
0x5e: {  	[tilespmem:$0x1060] =	vst @!p0 v11  }
0x5f: {  	s21 =	simm.s32 $0x11A0;
	[tilespmem:$0x1070] =	vst @!p0 v11  }
0x60: {  	[tilespmem:s21+$0xFFFFFFE0] =	vst v2  }
0x61: {  	[tilespmem:s21+$0x10] =	vst v2  }
0x62: {  	s22 =	simm.s32 $0x0;
	[tilespmem:s21+$0x0] =	vst v2  }
.LBB2_2:
0x63: {  	s22 =	sadd.s32 $0x4, s22  }
0x64: {  	[tilespmem:s21+$0xFFFFFFF0] =	vst v2;
	s21 =	sadd.s32 $0x40, s21;
	p2 =	slt.u32 s22, $0x3C  }
.Ltmp0:
0x65: {  	[tilespmem:s21+$0xFFFFFFE0] =	vst v2;
	(pc) =	sbr.rel @p2 .LBB2_2-.Ltmp0, $3  }
0x66: {  	_ =	sdelay $0x1  }
0x67: {  	[tilespmem:s21+$0x10] =	vst v2  }
0x68: {  	[tilespmem:s21+$0x0] =	vst v2  }
0x69: {  	[tilespmem:s21+$0xFFFFFFF0] =	vst v2  }
0x6a: {  	_ =	swait.ge [sflag:s12], $0x800  }
0x6b: {  	[sflag:s12] =	ssyncset.done $0x0  }
0x6c: {  	[sflag:s12] =	ssyncadd.s32 $0xFFFFF800  }
0x6d: {  	_ =	swait.ge [sflag:s12], $0x800  }
0x6e: {  	[sflag:s12] =	ssyncset.done $0x0  }
0x6f: {  	[sflag:s12] =	ssyncadd.s32 $0xFFFFF800  }
0x70: {  	_ =	swait.ge [sflag:s12], $0x80  }
0x71: {  	[sflag:s12] =	ssyncset.done $0x0  }
.Ltmp1:
0x72: {  	[sflag:s12] =	ssyncadd.s32 $0xFFFFFF80;
	(pc) =	sbr.rel @p1 .LBB2_7-.Ltmp1, $4  }
0x73: {  	_ =	swait.ge [sflag:s12], $0x80  }
0x74: {  	[sflag:s12] =	ssyncset.done $0x0  }
0x75: {  	[sflag:s12] =	ssyncadd.s32 $0xFFFFFF80  }
0x76: {  	v11 =	vld.msk [tilespmem:s24+$0x0], $0xffff  }
0x77: {  	_ =	sdelay $0x2  }
0x78: {  	s21 =	simm.s32 $0x800  }
0x79: {  	v12 =	vld.idx.msk [tilespmem:v3+s21+$0x0], $0xffff;
	_ =	sdelay $0x3  }
0x7a: {  	s21 =	simm.s32 $0x15A0  }
0x7b: {  	[tilespmem:s21+$0xFFFFFFE0] =	vst v12  }
0x7c: {  	[tilespmem:s21+$0x10] =	vst v12  }
0x7d: {  	s22 =	simm.s32 $0x0;
	[tilespmem:s21+$0x0] =	vst v12  }
.LBB2_5:
0x7e: {  	s22 =	sadd.s32 $0x4, s22  }
0x7f: {  	[tilespmem:s21+$0xFFFFFFF0] =	vst v12;
	s21 =	sadd.s32 $0x40, s21;
	p2 =	slt.u32 s22, $0x3C  }
.Ltmp2:
0x80: {  	[tilespmem:s21+$0xFFFFFFE0] =	vst v12;
	(pc) =	sbr.rel @p2 .LBB2_5-.Ltmp2, $3  }
0x81: {  	_ =	sdelay $0x1  }
0x82: {  	[tilespmem:s21+$0x10] =	vst v12  }
0x83: {  	[tilespmem:s21+$0x0] =	vst v12  }
0x84: {  	[tilespmem:s21+$0xFFFFFFF0] =	vst v12  }
.LBB2_7:
0x85: {  	_ =	sdelay $0x2  }
0x86: {  	v12 =	vld.msk [tilespmem:s0+$0x0], $0xffff;
	s21 =	simm.s32 $0x1000  }
0x87: {  	v13 =	vld.idx.msk [tilespmem:v5+s21+$0x0], $0xffff  }
0x88: {  	v14 =	vld [tilespmem:$0x0]  }
0x89: {  	v15 =	vld.idx.msk [tilespmem:v4+s0+$0x0], $0xffff;
	_ =	sdelay $0x2  }
0x8a: {  	vm4 =	vne.s32 v12, v13  }
0x8b: {  	vm4 =	vmor vm0, vm4  }
0x8c: {  	vm5 =	vne.s32 v14, v15;
	vm4 =	vmand vm4, vm1  }
0x8d: {  	vm4 =	vmor vm5, vm4  }
0x8e: {  	v12 =	vsub.s32 v14, v11;
	_ =	sdelay $0x4  }
0x8f: {  	[tilespmem:v12+s18+$0x0] =	vst.idx.msk vm4, v1  }
0x90: {  	v13 =	vld [tilespmem:$0x800];
	_ =	sdelay $0x4  }
0x91: {  	s25 =	simm.s32 $0x40;
	[tilespmem:v12+s19+$0x0] =	vst.idx.msk vm4, v13  }
0x92: {  	v12 =	vld [tilespmem:s25+$0x40]  }
0x93: {  	v13 =	vld [tilespmem:s25+$0x3F]  }
0x94: {  	v14 =	vld [tilespmem:s25+$0xFFFFFFE0]  }
0x95: {  	v15 =	vld [tilespmem:s25+$0xFFFFFFDF]  }
0x96: {  	v16 =	vld [tilespmem:s25+$0xFFFFFFF0]  }
0x97: {  	v17 =	vld [tilespmem:s25+$0xFFFFFFEF]  }
0x98: {  	v18 =	vld [tilespmem:s25+$0x0]  }
0x99: {  	v20 =	vld [tilespmem:s25+$0xF]  }
0x9a: {  	v21 =	vld [tilespmem:s25+$0xFFFFFFCF]  }
0x9b: {  	v22 =	vld [tilespmem:s25+$0x1F]  }
0x9c: {  	v23 =	vld [tilespmem:s25+$0x2F]  }
0x9d: {  	s29 =	simm.s32 $0xC0;
	v25 =	vld [tilespmem:s25+$0xFFFFFFD0]  }
0x9e: {  	v29 =	vld [tilespmem:s29+$0x40]  }
0x9f: {  	v30 =	vld [tilespmem:s29+$0x3F]  }
0xa0: {  	vm9 =	vne.s32 v12, v13;
	v13 =	vld [tilespmem:s25+$0xFFFFFFFF]  }
0xa1: {  	v19 =	vsub.s32 v12, v11;
	v12 =	vld [tilespmem:s25+$0x10]  }
0xa2: {  	vm7 =	vne.s32 v14, v15;
	vm5 =	vne.s32 v16, v17;
	v15 =	vld [tilespmem:s25+$0x20]  }
0xa3: {  	v32 =	vld [tilespmem:s29+$0xFFFFFFF0];
	v16 =	vsub.s32 v16, v11  }
0xa4: {  	v33 =	vld [tilespmem:s29+$0xFFFFFFEF];
	v14 =	vsub.s32 v14, v11  }
0xa5: {  	vm11 =	vne.s32 v25, v21;
	v21 =	vld [tilespmem:s29+$0xF]  }
0xa6: {  	s24 =	sadd.s32 $0xFFFFFFB0, s16;
	v17 =	vor.u32 s16, v0;
	vm6 =	vne.s32 v18, v13;
	vm4 =	vne.s32 v12, v20;
	v20 =	vld [tilespmem:s25+$0x30]  }
0xa7: {  	s23 =	simm.s32 $0x840;
	s22 =	sadd.s32 $0xFFFFFFA0, s16;
	v24 =	vor.u32 s24, v0;
	vm8 =	vne.s32 v15, v22;
	v22 =	vld [tilespmem:s29+$0xFFFFFFE0];
	[tilespmem:v19+s18+$0x0] =	vst.idx.msk vm9, v17;
	v17 =	vsub.s32 v18, v11  }
0xa8: {  	v18 =	vsub.s32 v12, v11;
	v12 =	vor.u32 s22, v0;
	[tilespmem:v16+s18+$0x0] =	vst.idx.msk vm5, v24;
	v13 =	vld [tilespmem:s23+$0x40]  }
0xa9: {  	[tilespmem:v14+s18+$0x0] =	vst.idx.msk vm7, v12;
	v27 =	vld [tilespmem:s23+$0xFFFFFFF0]  }
0xaa: {  	s26 =	sadd.s32 $0xFFFFFFC0, s16;
	v24 =	vld [tilespmem:s23+$0xFFFFFFE0]  }
0xab: {  	s28 =	sadd.s32 $0xFFFFFFD0, s16;
	v12 =	vor.u32 s26, v0;
	vm12 =	vne.s32 v20, v23;
	v23 =	vld [tilespmem:s29+$0x0]  }
0xac: {  	v26 =	vor.u32 s28, v0;
	[tilespmem:v17+s18+$0x0] =	vst.idx.msk vm6, v12;
	v12 =	vsub.s32 v15, v11;
	v15 =	vld [tilespmem:s29+$0xFFFFFFDF]  }
0xad: {  	vm13 =	vne.s32 v29, v30;
	[tilespmem:v18+s18+$0x0] =	vst.idx.msk vm4, v26;
	v28 =	vld [tilespmem:s23+$0x0]  }
0xae: {  	v29 =	vsub.s32 v29, v11;
	v26 =	vld [tilespmem:s23+$0x10]  }
0xaf: {  	[tilespmem:v19+s19+$0x0] =	vst.idx.msk vm9, v13;
	v19 =	vld [tilespmem:s29+$0xFFFFFFFF]  }
0xb0: {  	s25 =	sadd.s32 $0xFFFFFFE0, s16;
	v13 =	vsub.s32 v20, v11;
	v20 =	vld [tilespmem:s29+$0x10];
	[tilespmem:v16+s19+$0x0] =	vst.idx.msk vm5, v27  }
0xb1: {  	s21 =	sadd.s32 $0x80, s16;
	v34 =	vsub.s32 v25, v11;
	v30 =	vor.u32 s25, v0;
	[tilespmem:v14+s19+$0x0] =	vst.idx.msk vm7, v24;
	v24 =	vld [tilespmem:s29+$0x20]  }
0xb2: {  	v14 =	vsub.s32 v22, v11;
	[tilespmem:v12+s18+$0x0] =	vst.idx.msk vm8, v30;
	vm5 =	vne.s32 v22, v15;
	v15 =	vor.u32 s21, v0;
	v22 =	vld [tilespmem:s29+$0x1F]  }
0xb3: {  	s26 =	sadd.s32 $0xFFFFFFF0, s16;
	vm7 =	vne.s32 v32, v33;
	v30 =	vld [tilespmem:s29+$0x30];
	[tilespmem:v29+s18+$0x0] =	vst.idx.msk vm13, v15  }
0xb4: {  	s25 =	sadd.s32 $0xFFFFFF90, s16;
	v16 =	vor.u32 s26, v0;
	v15 =	vsub.s32 v32, v11;
	vm9 =	vne.s32 v23, v19;
	[tilespmem:v17+s19+$0x0] =	vst.idx.msk vm6, v28;
	v17 =	vld [tilespmem:s29+$0x2F]  }
0xb5: {  	s22 =	simm.s32 $0x8C0;
	v25 =	vor.u32 s25, v0;
	[tilespmem:v13+s18+$0x0] =	vst.idx.msk vm12, v16;
	v16 =	vsub.s32 v23, v11;
	v28 =	vld [tilespmem:s29+$0xFFFFFFD0]  }
0xb6: {  	s28 =	sadd.s32 $0xFFFFFFA0, s21;
	[tilespmem:v34+s18+$0x0] =	vst.idx.msk vm11, v25;
	vm10 =	vne.s32 v20, v21;
	v27 =	vld [tilespmem:s22+$0x40]  }
0xb7: {  	v31 =	vld [tilespmem:s29+$0xFFFFFFCF];
	vm14 =	vmmov vm11;
	s26 =	sadd.s32 $0xFFFFFFB0, s21;
	[tilespmem:v18+s19+$0x0] =	vst.idx.msk vm4, v26;
	v19 =	vor.u32 s28, v0;
	v18 =	vsub.s32 v20, v11  }
0xb8: {  	v63 =	vld [tilespmem:s23+$0xFFFFFFD0];
	s29 =	sadd.s32 $0xFFFFFFC0, s21;
	v20 =	vor.u32 s26, v0;
	vm11 =	vne.s32 v24, v22;
	[tilespmem:v14+s18+$0x0] =	vst.idx.msk vm5, v19  }
0xb9: {  	v21 =	vor.u32 s29, v0;
	v19 =	vsub.s32 v24, v11;
	[tilespmem:v15+s18+$0x0] =	vst.idx.msk vm7, v20;
	v24 =	vld [tilespmem:s23+$0x20]  }
0xba: {  	s25 =	sadd.s32 $0xFFFFFFD0, s21;
	vm6 =	vmmov vm12;
	v25 =	vld [tilespmem:s22+$0xFFFFFFE0];
	[tilespmem:v16+s18+$0x0] =	vst.idx.msk vm9, v21  }
0xbb: {  	vm12 =	vne.s32 v30, v17;
	v17 =	vsub.s32 v28, v11;
	v26 =	vld [tilespmem:s22+$0xFFFFFFF0];
	v21 =	vor.u32 s25, v0;
	[tilespmem:v29+s19+$0x0] =	vst.idx.msk vm13, v27  }
0xbc: {  	s28 =	sadd.s32 $0xFFFFFFE0, s21;
	vm13 =	vne.s32 v28, v31;
	v28 =	vld [tilespmem:s23+$0x30];
	[tilespmem:v18+s18+$0x0] =	vst.idx.msk vm10, v21;
	v21 =	vsub.s32 v30, v11  }
0xbd: {  	[tilespmem:v34+s19+$0x0] =	vst.idx.msk vm14, v63;
	vm4 =	vmmov vm8;
	s26 =	sadd.s32 $0xFFFFFF90, s21;
	s29 =	sadd.s32 $0xFFFFFFF0, s21;
	v29 =	vor.u32 s28, v0;
	v23 =	vld [tilespmem:s22+$0x0]  }
0xbe: {  	s24 =	simm.s32 $0x9;
	v22 =	vor.u32 s29, v0;
	v20 =	vor.u32 s26, v0;
	s25 =	simm.s32 $0x140;
	s23 =	simm.s32 $0x8C0;
	vm8 =	vmmov vm13;
	v27 =	vld [tilespmem:s22+$0x10];
	[tilespmem:v19+s18+$0x0] =	vst.idx.msk vm11, v29  }
.LBB2_8:
0xbf: {  	v29 =	vld [tilespmem:s25+$0x40];
	[tilespmem:v14+s19+$0x0] =	vst.idx.msk vm5, v25  }
0xc0: {  	s24 =	sadd.s32 $0x8, s24;
	v14 =	vld [tilespmem:s25+$0x3F];
	[tilespmem:v15+s19+$0x0] =	vst.idx.msk vm7, v26  }
0xc1: {  	p2 =	slt.u32 s24, $0x71;
	v30 =	vld [tilespmem:s25+$0xFFFFFFCF];
	[tilespmem:v21+s18+$0x0] =	vst.idx.msk vm12, v22  }
0xc2: {  	v15 =	vld [tilespmem:s25+$0xFFFFFFE0];
	[tilespmem:v17+s18+$0x0] =	vst.idx.msk vm13, v20  }
0xc3: {  	v20 =	vld [tilespmem:s25+$0xFFFFFFDF];
	[tilespmem:v16+s19+$0x0] =	vst.idx.msk vm9, v23  }
0xc4: {  	v16 =	vld [tilespmem:s25+$0xFFFFFFF0];
	[tilespmem:v18+s19+$0x0] =	vst.idx.msk vm10, v27  }
0xc5: {  	v18 =	vld [tilespmem:s25+$0xFFFFFFEF];
	vm13 =	vne.s32 v29, v14;
	[tilespmem:v12+s19+$0x0] =	vst.idx.msk vm4, v24;
	v12 =	vmov v19;
	vm4 =	vmmov vm11  }
0xc6: {  	v23 =	vsub.s32 v29, v11;
	v19 =	vld [tilespmem:s25+$0x0];
	[tilespmem:v13+s19+$0x0] =	vst.idx.msk vm6, v28;
	v13 =	vmov v21;
	vm6 =	vmmov vm12  }
0xc7: {  	v14 =	vsub.s32 v15, v11;
	v21 =	vld [tilespmem:s25+$0xFFFFFFFF]  }
0xc8: {  	vm5 =	vne.s32 v15, v20;
	v22 =	vld [tilespmem:s25+$0x10]  }
0xc9: {  	s21 =	sadd.s32 $0x80, s21;
	v15 =	vsub.s32 v16, v11;
	v24 =	vld [tilespmem:s25+$0xF]  }
0xca: {  	s26 =	sadd.s32 $0xFFFFFF90, s21;
	s28 =	sadd.s32 $0xFFFFFFA0, s21;
	s29 =	sadd.s32 $0xFFFFFFB0, s21;
	vm7 =	vne.s32 v16, v18;
	v25 =	vld [tilespmem:s25+$0x20];
	v18 =	vor.u32 s21, v0  }
0xcb: {  	s22 =	sadd.s32 $0x80, s22;
	v26 =	vor.u32 s28, v0;
	s28 =	sadd.s32 $0xFFFFFFD0, s21;
	v20 =	vor.u32 s26, v0;
	s26 =	sadd.s32 $0xFFFFFFC0, s21;
	v16 =	vsub.s32 v19, v11;
	v27 =	vld [tilespmem:s25+$0x1F];
	[tilespmem:v23+s18+$0x0] =	vst.idx.msk vm13, v18  }
0xcc: {  	v28 =	vor.u32 s29, v0;
	s29 =	sadd.s32 $0xFFFFFFF0, s21;
	vm9 =	vne.s32 v19, v21;
	v21 =	vor.u32 s26, v0;
	s26 =	sadd.s32 $0xFFFFFFE0, s21;
	v29 =	vld [tilespmem:s22+$0x40]  }
0xcd: {  	v31 =	vor.u32 s28, v0;
	v18 =	vsub.s32 v22, v11;
	v32 =	vor.u32 s26, v0;
	v33 =	vld [tilespmem:s25+$0x30]  }
0xce: {  	[tilespmem:v14+s18+$0x0] =	vst.idx.msk vm5, v26;
	vm10 =	vne.s32 v22, v24;
	v24 =	vld [tilespmem:s25+$0x2F];
	v22 =	vor.u32 s29, v0  }
0xcf: {  	v34 =	vld [tilespmem:s25+$0xFFFFFFD0];
	v19 =	vsub.s32 v25, v11  }
0xd0: {  	[tilespmem:v15+s18+$0x0] =	vst.idx.msk vm7, v28;
	vm11 =	vne.s32 v25, v27;
	v28 =	vld [tilespmem:s23+$0xFFFFFFD0]  }
0xd1: {  	s26 =	simm.s32 $0x0;
	v25 =	vld [tilespmem:s22+$0xFFFFFFE0];
	[tilespmem:v23+s19+$0x0] =	vst.idx.msk vm13, v29  }
.Ltmp3:
0xd2: {  	v26 =	vld [tilespmem:s22+$0xFFFFFFF0];
	[tilespmem:v16+s18+$0x0] =	vst.idx.msk vm9, v21;
	v21 =	vsub.s32 v33, v11;
	(pc) =	sbr.rel @p2 .LBB2_8-.Ltmp3, $4  }
0xd3: {  	v23 =	vld [tilespmem:s22+$0x0];
	vm12 =	vne.s32 v33, v24  }
0xd4: {  	vm13 =	vne.s32 v34, v30;
	v29 =	vsub.s32 v34, v11;
	[tilespmem:v18+s18+$0x0] =	vst.idx.msk vm10, v31;
	v24 =	vld [tilespmem:s23+$0x20]  }
0xd5: {  	v27 =	vld [tilespmem:s22+$0x10];
	[tilespmem:v17+s19+$0x0] =	vst.idx.msk vm8, v28;
	v17 =	vmov v29;
	vm8 =	vmmov vm13  }
0xd6: {  	s25 =	sadd.s32 $0x80, s25;
	[tilespmem:v19+s18+$0x0] =	vst.idx.msk vm11, v32;
	v28 =	vld [tilespmem:s23+$0x30];
	s23 =	smov.u32 s22  }
0xd7: {  	_ =	sdelay $0x4  }
0xd8: {  	[tilespmem:v14+s19+$0x0] =	vst.idx.msk vm5, v25  }
0xd9: {  	[tilespmem:v15+s19+$0x0] =	vst.idx.msk vm7, v26  }
0xda: {  	[tilespmem:v17+s18+$0x0] =	vst.idx.msk vm13, v20  }
0xdb: {  	[tilespmem:v21+s18+$0x0] =	vst.idx.msk vm12, v22;
	v62 =	vld [tilespmem:s23+$0x20]  }
0xdc: {  	v61 =	vld [tilespmem:s23+$0xFFFFFFD0];
	[tilespmem:v16+s19+$0x0] =	vst.idx.msk vm9, v23  }
0xdd: {  	v63 =	vld [tilespmem:s23+$0x30];
	[tilespmem:v12+s19+$0x0] =	vst.idx.msk vm4, v24  }
0xde: {  	[tilespmem:v18+s19+$0x0] =	vst.idx.msk vm10, v27  }
0xdf: {  	[tilespmem:v13+s19+$0x0] =	vst.idx.msk vm6, v28  }
0xe0: {  	[tilespmem:v19+s19+$0x0] =	vst.idx.msk vm11, v62  }
0xe1: {  	[tilespmem:v17+s19+$0x0] =	vst.idx.msk vm8, v61  }
0xe2: {  	[tilespmem:v21+s19+$0x0] =	vst.idx.msk vm12, v63  }
0xe3: {  	vm5 =	vmmov vm11;
	vm15 =	vmmov vm12;
	s21 =	sld [smem:$0x7FD]  }
.LBB2_10:
0xe4: {  	s22 =	sshra.s32 s26, $0x2  }
0xe5: {  	v12 =	vld [tilespmem:s22+$0x790]  }
0xe6: {  	v13 =	vld [tilespmem:s22+$0x78F];
	_ =	sdelay $0x4  }
0xe7: {  	vm4 =	vne.s32 v12, v13  }
0xe8: {  	v12 =	vsub.s32 v12, v11;
	_ =	sdelay $0x3  }
0xe9: {  	v63 =	vor.u32 s21, v0  }
0xea: {  	[tilespmem:v12+s18+$0x0] =	vst.idx.msk vm4, v63  }
0xeb: {  	p2 =	sne.s32 s26, $0x180;
	v13 =	vld [tilespmem:s22+$0xF90]  }
.Ltmp4:
0xec: {  	_ = 	snop;
	(pc) =	sbr.rel @p2 .LBB2_10-.Ltmp4, $2  }
0xed: {  	_ =	sdelay $0x2  }
0xee: {  	s21 =	sadd.s32 $0x10, s21;
	s26 =	sadd.s32 $0x40, s26;
	[tilespmem:v12+s19+$0x0] =	vst.idx.msk vm4, v13  }
0xef: {  	s21 =	rddreg [dreg:$0x6]  }
0xf0: {  	[spmem:s21] =	stream.linear.scatter [tilespmem:s18], [sflag:$0x1], $0x400, $0x38;
	[tilespmem:$0x3200] =	vst v63  }
0xf1: {  	s25 =	rddreg [dreg:$0x7]  }
0xf2: {  	[spmem:s25] =	stream.linear.scatter [tilespmem:s19], [sflag:$0x1], $0x400, $0x38;
	[tilespmem:$0x3200] =	vst v63  }
0xf3: {  	_ =	swait.ge [sflag:s12], $0x400  }
0xf4: {  	[sflag:s12] =	ssyncset.done $0x0  }
0xf5: {  	[sflag:s12] =	ssyncadd.s32 $0xFFFFFC00  }
0xf6: {  	_ =	swait.ge [sflag:s12], $0x400  }
0xf7: {  	[sflag:s12] =	ssyncset.done $0x0  }
0xf8: {  	[sflag:s12] =	ssyncadd.s32 $0xFFFFFC00  }
0xf9: {  	[bflag:$0x0] =	sbarrier.arrive $0xFFFF  }
0xfa: {  	s26 =	sld [smem:$0x7E1];
	_ =	sdelay $0x1  }
0xfb: {  	s22 =	simm.s32 $0x1980;
	s28 =	sld [smem:$0x7E2]  }
0xfc: {  	[tilespmem:s22], [sflag:$0x1] =	stream.linear.gather [spmem:s26], $0x80, $0x38;
	[tilespmem:$0x3200] =	vst v63  }
0xfd: {  	s29 =	simm.s32 $0x2180;
	s23 =	rddreg [dreg:$0x8]  }
0xfe: {  	[tilespmem:s29], [sflag:$0x1] =	stream.linear.gather [spmem:s28], $0x80, $0x38;
	[tilespmem:$0x3200] =	vst v63  }
0xff: {  	s24 =	simm.s32 $0x1A00;
	s25 =	rddreg [dreg:$0x9]  }
0x100: {  	[tilespmem:s24], [sflag:$0x1] =	stream.linear.gather [spmem:s23], $0x80, $0x38;
	[tilespmem:$0x3200] =	vst v63  }
0x101: {  	s26 =	simm.s32 $0x2200;
	s28 =	rddreg [dreg:$0xa]  }
0x102: {  	[tilespmem:s26], [sflag:$0x1] =	stream.linear.gather [spmem:s25], $0x80, $0x38;
	[tilespmem:$0x3200] =	vst v63  }
0x103: {  	s29 =	simm.s32 $0x1A80;
	s23 =	rddreg [dreg:$0xb]  }
0x104: {  	[tilespmem:s29], [sflag:$0x1] =	stream.linear.gather [spmem:s28], $0x80, $0x38;
	[tilespmem:$0x3200] =	vst v63  }
0x105: {  	s24 =	simm.s32 $0x2280;
	s25 =	rddreg [dreg:$0xc]  }
0x106: {  	[tilespmem:s24], [sflag:$0x1] =	stream.linear.gather [spmem:s23], $0x80, $0x38;
	[tilespmem:$0x3200] =	vst v63  }
0x107: {  	s26 =	simm.s32 $0x1B00;
	s28 =	rddreg [dreg:$0xd]  }
0x108: {  	[tilespmem:s26], [sflag:$0x1] =	stream.linear.gather [spmem:s25], $0x80, $0x38;
	[tilespmem:$0x3200] =	vst v63  }
0x109: {  	s29 =	simm.s32 $0x2300;
	s23 =	rddreg [dreg:$0xe]  }
0x10a: {  	[tilespmem:s29], [sflag:$0x1] =	stream.linear.gather [spmem:s28], $0x80, $0x38;
	[tilespmem:$0x3200] =	vst v63  }
0x10b: {  	s24 =	simm.s32 $0x1B80;
	s25 =	rddreg [dreg:$0xf]  }
0x10c: {  	[tilespmem:s24], [sflag:$0x1] =	stream.linear.gather [spmem:s23], $0x80, $0x38;
	[tilespmem:$0x3200] =	vst v63  }
0x10d: {  	s26 =	simm.s32 $0x2380;
	s28 =	rddreg [dreg:$0x10]  }
0x10e: {  	[tilespmem:s26], [sflag:$0x1] =	stream.linear.gather [spmem:s25], $0x80, $0x38;
	[tilespmem:$0x3200] =	vst v63  }
0x10f: {  	s29 =	simm.s32 $0x1C00;
	s23 =	rddreg [dreg:$0x11]  }
0x110: {  	[tilespmem:s29], [sflag:$0x1] =	stream.linear.gather [spmem:s28], $0x80, $0x38;
	[tilespmem:$0x3200] =	vst v63  }
0x111: {  	s24 =	simm.s32 $0x2400;
	s25 =	rddreg [dreg:$0x12]  }
0x112: {  	[tilespmem:s24], [sflag:$0x1] =	stream.linear.gather [spmem:s23], $0x80, $0x38;
	[tilespmem:$0x3200] =	vst v63  }
0x113: {  	s26 =	simm.s32 $0x1C80;
	s28 =	rddreg [dreg:$0x13]  }
0x114: {  	[tilespmem:s26], [sflag:$0x1] =	stream.linear.gather [spmem:s25], $0x80, $0x38;
	[tilespmem:$0x3200] =	vst v63  }
0x115: {  	s29 =	simm.s32 $0x2480;
	s23 =	rddreg [dreg:$0x14]  }
0x116: {  	[tilespmem:s29], [sflag:$0x1] =	stream.linear.gather [spmem:s28], $0x80, $0x38;
	[tilespmem:$0x3200] =	vst v63  }
0x117: {  	s24 =	simm.s32 $0x1D00;
	s25 =	rddreg [dreg:$0x15]  }
0x118: {  	[tilespmem:s24], [sflag:$0x1] =	stream.linear.gather [spmem:s23], $0x80, $0x38;
	[tilespmem:$0x3200] =	vst v63  }
0x119: {  	s26 =	simm.s32 $0x2500;
	s28 =	rddreg [dreg:$0x16]  }
0x11a: {  	[tilespmem:s26], [sflag:$0x1] =	stream.linear.gather [spmem:s25], $0x80, $0x38;
	[tilespmem:$0x3200] =	vst v63  }
0x11b: {  	s29 =	simm.s32 $0x1D80;
	s23 =	rddreg [dreg:$0x17]  }
0x11c: {  	[tilespmem:s29], [sflag:$0x1] =	stream.linear.gather [spmem:s28], $0x80, $0x38;
	[tilespmem:$0x3200] =	vst v63  }
0x11d: {  	s24 =	simm.s32 $0x2580;
	s25 =	rddreg [dreg:$0x18]  }
0x11e: {  	[tilespmem:s24], [sflag:$0x1] =	stream.linear.gather [spmem:s23], $0x80, $0x38;
	[tilespmem:$0x3200] =	vst v63  }
0x11f: {  	s26 =	simm.s32 $0x1E00;
	s28 =	rddreg [dreg:$0x19]  }
0x120: {  	[tilespmem:s26], [sflag:$0x1] =	stream.linear.gather [spmem:s25], $0x80, $0x38;
	[tilespmem:$0x3200] =	vst v63  }
0x121: {  	s29 =	simm.s32 $0x2600;
	s23 =	rddreg [dreg:$0x1a]  }
0x122: {  	[tilespmem:s29], [sflag:$0x1] =	stream.linear.gather [spmem:s28], $0x80, $0x38;
	[tilespmem:$0x3200] =	vst v63  }
0x123: {  	s24 =	simm.s32 $0x1E80;
	s25 =	rddreg [dreg:$0x1b]  }
0x124: {  	[tilespmem:s24], [sflag:$0x1] =	stream.linear.gather [spmem:s23], $0x80, $0x38;
	[tilespmem:$0x3200] =	vst v63  }
0x125: {  	s26 =	simm.s32 $0x2680;
	s28 =	rddreg [dreg:$0x1c]  }
0x126: {  	[tilespmem:s26], [sflag:$0x1] =	stream.linear.gather [spmem:s25], $0x80, $0x38;
	[tilespmem:$0x3200] =	vst v63  }
0x127: {  	s29 =	simm.s32 $0x1F00;
	s23 =	rddreg [dreg:$0x1d]  }
0x128: {  	[tilespmem:s29], [sflag:$0x1] =	stream.linear.gather [spmem:s28], $0x80, $0x38;
	[tilespmem:$0x3200] =	vst v63  }
0x129: {  	s24 =	simm.s32 $0x2700;
	s25 =	rddreg [dreg:$0x1e]  }
0x12a: {  	[tilespmem:s24], [sflag:$0x1] =	stream.linear.gather [spmem:s23], $0x80, $0x38;
	[tilespmem:$0x3200] =	vst v63  }
0x12b: {  	s26 =	simm.s32 $0x1F80;
	s28 =	rddreg [dreg:$0x1f]  }
0x12c: {  	[tilespmem:s26], [sflag:$0x1] =	stream.linear.gather [spmem:s25], $0x80, $0x38;
	[tilespmem:$0x3200] =	vst v63  }
0x12d: {  	s29 =	simm.s32 $0x2780;
	s23 =	sld [smem:$0x7DF]  }
0x12e: {  	[tilespmem:s29], [sflag:$0x1] =	stream.linear.gather [spmem:s28], $0x80, $0x38;
	[tilespmem:$0x3200] =	vst v63  }
0x12f: {  	s24 =	simm.s32 $0x2000;
	s25 =	sld [smem:$0x7E0]  }
0x130: {  	[tilespmem:s24], [sflag:$0x1] =	stream.linear.gather [spmem:s23], $0x80, $0x38;
	[tilespmem:$0x3200] =	vst v63  }
0x131: {  	s26 =	simm.s32 $0x2800;
	s28 =	sld [smem:$0x7E3]  }
0x132: {  	[tilespmem:s26], [sflag:$0x1] =	stream.linear.gather [spmem:s25], $0x80, $0x38;
	[tilespmem:$0x3200] =	vst v63  }
0x133: {  	s29 =	simm.s32 $0x2080;
	s23 =	sld [smem:$0x7E4]  }
0x134: {  	[tilespmem:s29], [sflag:$0x1] =	stream.linear.gather [spmem:s28], $0x80, $0x38;
	[tilespmem:$0x3200] =	vst v63  }
0x135: {  	s24 =	simm.s32 $0x2880;
	s25 =	sld [smem:$0x7E5]  }
0x136: {  	[tilespmem:s24], [sflag:$0x1] =	stream.linear.gather [spmem:s23], $0x80, $0x38;
	[tilespmem:$0x3200] =	vst v63  }
0x137: {  	s26 =	simm.s32 $0x2100;
	s28 =	sld [smem:$0x7E6]  }
0x138: {  	[tilespmem:s26], [sflag:$0x1] =	stream.linear.gather [spmem:s25], $0x80, $0x38;
	[tilespmem:$0x3200] =	vst v63  }
0x139: {  	s29 =	simm.s32 $0x2900  }
0x13a: {  	[tilespmem:s29], [sflag:$0x1] =	stream.linear.gather [spmem:s28], $0x80, $0x38;
	[tilespmem:$0x3200] =	vst v63  }
0x13b: {  	_ =	swait.ge [sflag:s12], $0x80  }
0x13c: {  	[sflag:s12] =	ssyncset.done $0x0  }
0x13d: {  	[sflag:s12] =	ssyncadd.s32 $0xFFFFFF80  }
0x13e: {  	_ =	swait.ge [sflag:s12], $0x80  }
0x13f: {  	[sflag:s12] =	ssyncset.done $0x0  }
0x140: {  	[sflag:s12] =	ssyncadd.s32 $0xFFFFFF80  }
0x141: {  	_ =	swait.ge [sflag:s12], $0x80  }
0x142: {  	[sflag:s12] =	ssyncset.done $0x0  }
0x143: {  	[sflag:s12] =	ssyncadd.s32 $0xFFFFFF80  }
0x144: {  	_ =	swait.ge [sflag:s12], $0x80  }
0x145: {  	[sflag:s12] =	ssyncset.done $0x0  }
0x146: {  	[sflag:s12] =	ssyncadd.s32 $0xFFFFFF80  }
0x147: {  	_ =	swait.ge [sflag:s12], $0x80  }
0x148: {  	[sflag:s12] =	ssyncset.done $0x0  }
0x149: {  	[sflag:s12] =	ssyncadd.s32 $0xFFFFFF80  }
0x14a: {  	_ =	swait.ge [sflag:s12], $0x80  }
0x14b: {  	[sflag:s12] =	ssyncset.done $0x0  }
0x14c: {  	[sflag:s12] =	ssyncadd.s32 $0xFFFFFF80  }
0x14d: {  	_ =	swait.ge [sflag:s12], $0x80  }
0x14e: {  	[sflag:s12] =	ssyncset.done $0x0  }
0x14f: {  	[sflag:s12] =	ssyncadd.s32 $0xFFFFFF80  }
0x150: {  	_ =	swait.ge [sflag:s12], $0x80  }
0x151: {  	[sflag:s12] =	ssyncset.done $0x0  }
0x152: {  	[sflag:s12] =	ssyncadd.s32 $0xFFFFFF80  }
0x153: {  	_ =	swait.ge [sflag:s12], $0x80  }
0x154: {  	[sflag:s12] =	ssyncset.done $0x0  }
0x155: {  	[sflag:s12] =	ssyncadd.s32 $0xFFFFFF80  }
0x156: {  	_ =	swait.ge [sflag:s12], $0x80  }
0x157: {  	[sflag:s12] =	ssyncset.done $0x0  }
0x158: {  	[sflag:s12] =	ssyncadd.s32 $0xFFFFFF80  }
0x159: {  	_ =	swait.ge [sflag:s12], $0x80  }
0x15a: {  	[sflag:s12] =	ssyncset.done $0x0  }
0x15b: {  	[sflag:s12] =	ssyncadd.s32 $0xFFFFFF80  }
0x15c: {  	_ =	swait.ge [sflag:s12], $0x80  }
0x15d: {  	[sflag:s12] =	ssyncset.done $0x0  }
0x15e: {  	[sflag:s12] =	ssyncadd.s32 $0xFFFFFF80  }
0x15f: {  	_ =	swait.ge [sflag:s12], $0x80  }
0x160: {  	[sflag:s12] =	ssyncset.done $0x0  }
0x161: {  	[sflag:s12] =	ssyncadd.s32 $0xFFFFFF80  }
0x162: {  	_ =	swait.ge [sflag:s12], $0x80  }
0x163: {  	[sflag:s12] =	ssyncset.done $0x0  }
0x164: {  	[sflag:s12] =	ssyncadd.s32 $0xFFFFFF80  }
0x165: {  	_ =	swait.ge [sflag:s12], $0x80  }
0x166: {  	[sflag:s12] =	ssyncset.done $0x0  }
0x167: {  	[sflag:s12] =	ssyncadd.s32 $0xFFFFFF80  }
0x168: {  	_ =	swait.ge [sflag:s12], $0x80  }
0x169: {  	[sflag:s12] =	ssyncset.done $0x0  }
0x16a: {  	[sflag:s12] =	ssyncadd.s32 $0xFFFFFF80  }
0x16b: {  	_ =	swait.ge [sflag:s12], $0x80  }
0x16c: {  	[sflag:s12] =	ssyncset.done $0x0  }
0x16d: {  	[sflag:s12] =	ssyncadd.s32 $0xFFFFFF80  }
0x16e: {  	_ =	swait.ge [sflag:s12], $0x80  }
0x16f: {  	[sflag:s12] =	ssyncset.done $0x0  }
0x170: {  	[sflag:s12] =	ssyncadd.s32 $0xFFFFFF80  }
0x171: {  	_ =	swait.ge [sflag:s12], $0x80  }
0x172: {  	[sflag:s12] =	ssyncset.done $0x0  }
0x173: {  	[sflag:s12] =	ssyncadd.s32 $0xFFFFFF80  }
0x174: {  	_ =	swait.ge [sflag:s12], $0x80  }
0x175: {  	[sflag:s12] =	ssyncset.done $0x0  }
0x176: {  	[sflag:s12] =	ssyncadd.s32 $0xFFFFFF80  }
0x177: {  	_ =	swait.ge [sflag:s12], $0x80  }
0x178: {  	[sflag:s12] =	ssyncset.done $0x0  }
0x179: {  	[sflag:s12] =	ssyncadd.s32 $0xFFFFFF80  }
0x17a: {  	_ =	swait.ge [sflag:s12], $0x80  }
0x17b: {  	[sflag:s12] =	ssyncset.done $0x0  }
0x17c: {  	[sflag:s12] =	ssyncadd.s32 $0xFFFFFF80  }
0x17d: {  	_ =	swait.ge [sflag:s12], $0x80  }
0x17e: {  	[sflag:s12] =	ssyncset.done $0x0  }
0x17f: {  	[sflag:s12] =	ssyncadd.s32 $0xFFFFFF80  }
0x180: {  	_ =	swait.ge [sflag:s12], $0x80  }
0x181: {  	[sflag:s12] =	ssyncset.done $0x0  }
0x182: {  	[sflag:s12] =	ssyncadd.s32 $0xFFFFFF80  }
0x183: {  	_ =	swait.ge [sflag:s12], $0x80  }
0x184: {  	[sflag:s12] =	ssyncset.done $0x0  }
0x185: {  	[sflag:s12] =	ssyncadd.s32 $0xFFFFFF80  }
0x186: {  	_ =	swait.ge [sflag:s12], $0x80  }
0x187: {  	[sflag:s12] =	ssyncset.done $0x0  }
0x188: {  	[sflag:s12] =	ssyncadd.s32 $0xFFFFFF80  }
0x189: {  	_ =	swait.ge [sflag:s12], $0x80  }
0x18a: {  	[sflag:s12] =	ssyncset.done $0x0  }
0x18b: {  	[sflag:s12] =	ssyncadd.s32 $0xFFFFFF80  }
0x18c: {  	_ =	swait.ge [sflag:s12], $0x80  }
0x18d: {  	[sflag:s12] =	ssyncset.done $0x0  }
0x18e: {  	[sflag:s12] =	ssyncadd.s32 $0xFFFFFF80  }
0x18f: {  	_ =	swait.ge [sflag:s12], $0x80  }
0x190: {  	[sflag:s12] =	ssyncset.done $0x0  }
0x191: {  	[sflag:s12] =	ssyncadd.s32 $0xFFFFFF80  }
0x192: {  	_ =	swait.ge [sflag:s12], $0x80  }
0x193: {  	[sflag:s12] =	ssyncset.done $0x0  }
0x194: {  	[sflag:s12] =	ssyncadd.s32 $0xFFFFFF80  }
0x195: {  	_ =	swait.ge [sflag:s12], $0x80  }
0x196: {  	[sflag:s12] =	ssyncset.done $0x0  }
0x197: {  	[sflag:s12] =	ssyncadd.s32 $0xFFFFFF80  }
0x198: {  	_ =	swait.ge [sflag:s12], $0x80  }
0x199: {  	[sflag:s12] =	ssyncset.done $0x0  }
0x19a: {  	[sflag:s12] =	ssyncadd.s32 $0xFFFFFF80  }
0x19b: {  	v11 =	vld.idx.msk [tilespmem:v7+s17+$0x0], $0xffff  }
0x19c: {  	v12 =	vld.idx.msk [tilespmem:v8+s17+$0x0], $0xffff  }
0x19d: {  	v13 =	vld.idx.msk [tilespmem:v6+s17+$0x0], $0xffff;
	_ =	sdelay $0x3  }
0x19e: {  	v11 =	vsel vm2, v12, v11  }
0x19f: {  	v11 =	vsel vm3, v13, v11  }
0x1a0: {  	[tilespmem:$0x2980] =	vst v11  }
0x1a1: {  	[tilespmem:$0x2990] =	vst v11  }
0x1a2: {  	[tilespmem:$0x29A0] =	vst v11  }
0x1a3: {  	[tilespmem:$0x29B0] =	vst v11  }
0x1a4: {  	[tilespmem:$0x29C0] =	vst v11  }
0x1a5: {  	[tilespmem:$0x29D0] =	vst v11  }
0x1a6: {  	[tilespmem:$0x29E0] =	vst v11  }
0x1a7: {  	s23 =	sld [smem:$0x7ED];
	[tilespmem:$0x29F0] =	vst v11  }
0x1a8: {  	v11 =	vld [tilespmem:s10+$0x1980]  }
0x1a9: {  	s24 =	sld [smem:$0x7EE];
	v57 =	vld [tilespmem:s10+$0x2180]  }
0x1aa: {  	v58 =	vld [tilespmem:s23+$0x1980]  }
0x1ab: {  	s25 =	sld [smem:$0x7EF];
	v14 =	vld [tilespmem:s23+$0x2180]  }
0x1ac: {  	v15 =	vld [tilespmem:s24+$0x1980]  }
0x1ad: {  	s26 =	sld [smem:$0x7F0];
	v16 =	vld [tilespmem:s24+$0x2180]  }
0x1ae: {  	v17 =	vld [tilespmem:s25+$0x1980]  }
0x1af: {  	s28 =	sld [smem:$0x7F1];
	v18 =	vld [tilespmem:s25+$0x2180];
	vm4 =	vgt.s32 v58, v11  }
0x1b0: {  	v59 =	vld [tilespmem:s26+$0x1980];
	v11 =	vsel vm4, v11, v58  }
0x1b1: {  	s29 =	sld [smem:$0x7F2];
	v19 =	vld [tilespmem:s26+$0x2180];
	vm5 =	vlt.s32 v15, v11  }
0x1b2: {  	v21 =	vld [tilespmem:s28+$0x1980];
	v20 =	vsel vm5, v15, v11  }
0x1b3: {  	s22 =	sld [smem:$0x7F3];
	v22 =	vld [tilespmem:s28+$0x2180];
	vm5 =	vlt.s32 v17, v20  }
0x1b4: {  	v24 =	vld [tilespmem:s29+$0x1980];
	v23 =	vsel vm5, v17, v20  }
0x1b5: {  	v25 =	vld [tilespmem:s29+$0x2180];
	s23 =	sld [smem:$0x7F4];
	vm5 =	vlt.s32 v59, v23  }
0x1b6: {  	v27 =	vld [tilespmem:s22+$0x1980];
	v26 =	vsel vm5, v59, v23  }
0x1b7: {  	v28 =	vld [tilespmem:s22+$0x2180];
	s24 =	sld [smem:$0x7F5];
	vm5 =	vlt.s32 v21, v26  }
0x1b8: {  	v30 =	vld [tilespmem:s23+$0x1980];
	v29 =	vsel vm5, v21, v26  }
0x1b9: {  	s25 =	sld [smem:$0x7F6];
	v31 =	vld [tilespmem:s23+$0x2180];
	vm5 =	vlt.s32 v24, v29  }
0x1ba: {  	v33 =	vld [tilespmem:s24+$0x1980];
	v32 =	vsel vm5, v24, v29  }
0x1bb: {  	s26 =	sld [smem:$0x7F7];
	v34 =	vld [tilespmem:s24+$0x2180];
	vm5 =	vlt.s32 v27, v32  }
0x1bc: {  	v36 =	vld [tilespmem:s25+$0x1980];
	v35 =	vsel vm5, v27, v32  }
0x1bd: {  	s28 =	sld [smem:$0x7F8];
	v37 =	vld [tilespmem:s25+$0x2180];
	vm5 =	vlt.s32 v30, v35  }
0x1be: {  	s29 =	sld [smem:$0x7F9];
	v60 =	vld [tilespmem:s26+$0x1980];
	v12 =	vsel vm4, v57, v14;
	vm4 =	vgt.s32 v15, v11;
	v11 =	vsel vm5, v30, v35  }
0x1bf: {  	v61 =	vld [tilespmem:s26+$0x2180];
	v12 =	vsel vm4, v12, v16;
	vm4 =	vgt.s32 v17, v20;
	vm5 =	vlt.s32 v33, v11  }
0x1c0: {  	s22 =	sld [smem:$0x7FA];
	v63 =	vld [tilespmem:s28+$0x1980];
	v12 =	vsel vm4, v12, v18;
	vm4 =	vgt.s32 v59, v23;
	v62 =	vsel vm5, v33, v11  }
0x1c1: {  	v38 =	vld [tilespmem:s29+$0x1980];
	v12 =	vsel vm4, v12, v19;
	vm4 =	vgt.s32 v21, v26;
	vm5 =	vlt.s32 v36, v62  }
0x1c2: {  	v39 =	vld [tilespmem:s29+$0x2180];
	s23 =	sld [smem:$0x7FB];
	v12 =	vsel vm4, v12, v22;
	vm4 =	vgt.s32 v24, v29;
	v29 =	vsel vm5, v36, v62  }
0x1c3: {  	v41 =	vld [tilespmem:s22+$0x1980];
	v12 =	vsel vm4, v12, v25;
	vm4 =	vgt.s32 v27, v32;
	vm5 =	vlt.s32 v60, v29  }
0x1c4: {  	v26 =	vld [tilespmem:s28+$0x2180];
	v12 =	vsel vm4, v12, v28;
	vm4 =	vgt.s32 v30, v35;
	v40 =	vsel vm5, v60, v29  }
0x1c5: {  	v43 =	vld [tilespmem:s23+$0x1980];
	v12 =	vsel vm4, v12, v31;
	vm4 =	vgt.s32 v33, v11;
	vm5 =	vlt.s32 v63, v40  }
0x1c6: {  	v11 =	vld [tilespmem:s22+$0x2180];
	v12 =	vsel vm4, v12, v34;
	vm4 =	vgt.s32 v36, v62;
	v42 =	vsel vm5, v63, v40  }
0x1c7: {  	v44 =	vld [tilespmem:s23+$0x2180];
	v12 =	vsel vm4, v12, v37;
	vm4 =	vgt.s32 v60, v29;
	vm5 =	vlt.s32 v38, v42  }
0x1c8: {  	v12 =	vsel vm4, v12, v61;
	vm4 =	vgt.s32 v63, v40;
	v45 =	vsel vm5, v38, v42  }
0x1c9: {  	v12 =	vsel vm4, v12, v26;
	vm4 =	vgt.s32 v38, v42;
	vm5 =	vlt.s32 v41, v45  }
0x1ca: {  	v12 =	vsel vm4, v12, v39;
	vm4 =	vgt.s32 v41, v45;
	v46 =	vsel vm5, v41, v45  }
0x1cb: {  	s25 =	sld [smem:$0x7FC];
	v11 =	vsel vm4, v12, v11;
	vm4 =	vgt.s32 v43, v46  }
0x1cc: {  	s24 =	simm.s32 $0x2980;
	v11 =	vsel vm4, v11, v44  }
0x1cd: {  	[tilespmem:v9+s24+$0x0] =	vst.idx.msk $0xffff, v11  }
0x1ce: {  	v11 =	vld [tilespmem:s25+$0x1980]  }
0x1cf: {  	v12 =	vld [tilespmem:s25+$0x2180]  }
0x1d0: {  	v47 =	vld [tilespmem:s30+$0x1980]  }
0x1d1: {  	v14 =	vld [tilespmem:s30+$0x2180]  }
0x1d2: {  	v48 =	vld [tilespmem:s31+$0x1980]  }
0x1d3: {  	v49 =	vld [tilespmem:s31+$0x2180]  }
0x1d4: {  	v50 =	vld [tilespmem:s1+$0x1980]  }
0x1d5: {  	v51 =	vld [tilespmem:s1+$0x2180];
	vm4 =	vgt.s32 v47, v11  }
0x1d6: {  	v52 =	vld [tilespmem:s2+$0x1980];
	v11 =	vsel vm4, v11, v47  }
0x1d7: {  	v53 =	vld [tilespmem:s2+$0x2180];
	vm5 =	vlt.s32 v48, v11  }
0x1d8: {  	v55 =	vld [tilespmem:s3+$0x1980];
	v54 =	vsel vm5, v48, v11  }
0x1d9: {  	v56 =	vld [tilespmem:s3+$0x2180];
	vm5 =	vlt.s32 v50, v54  }
0x1da: {  	v58 =	vld [tilespmem:s4+$0x1980];
	v57 =	vsel vm5, v50, v54  }
0x1db: {  	v59 =	vld [tilespmem:s4+$0x2180];
	vm5 =	vlt.s32 v52, v57  }
0x1dc: {  	v61 =	vld [tilespmem:s5+$0x1980];
	v60 =	vsel vm5, v52, v57  }
0x1dd: {  	v62 =	vld [tilespmem:s5+$0x2180];
	vm5 =	vlt.s32 v55, v60  }
0x1de: {  	v40 =	vld [tilespmem:s6+$0x1980];
	v63 =	vsel vm5, v55, v60  }
0x1df: {  	v41 =	vld [tilespmem:s6+$0x2180];
	vm5 =	vlt.s32 v58, v63  }
0x1e0: {  	v43 =	vld [tilespmem:s7+$0x1980];
	v42 =	vsel vm5, v58, v63  }
0x1e1: {  	v44 =	vld [tilespmem:s7+$0x2180];
	vm5 =	vlt.s32 v61, v42  }
0x1e2: {  	v46 =	vld [tilespmem:s8+$0x1980];
	v45 =	vsel vm5, v61, v42  }
0x1e3: {  	v47 =	vld [tilespmem:s8+$0x2180];
	vm5 =	vlt.s32 v40, v45  }
0x1e4: {  	v12 =	vsel vm4, v12, v14;
	vm4 =	vgt.s32 v48, v11;
	v48 =	vld [tilespmem:s9+$0x1980];
	v11 =	vsel vm5, v40, v45  }
0x1e5: {  	v12 =	vsel vm4, v12, v49;
	v49 =	vld [tilespmem:s9+$0x2180];
	vm5 =	vgt.s32 v50, v54;
	vm4 =	vlt.s32 v43, v11  }
0x1e6: {  	v12 =	vsel vm5, v12, v51;
	vm5 =	vgt.s32 v52, v57;
	v51 =	vld [tilespmem:s11+$0x1980];
	v50 =	vsel vm4, v43, v11  }
0x1e7: {  	v54 =	vld [tilespmem:s13+$0x1980];
	vm4 =	vgt.s32 v55, v60;
	v12 =	vsel vm5, v12, v53;
	vm5 =	vlt.s32 v46, v50  }
0x1e8: {  	v52 =	vld [tilespmem:s11+$0x2180];
	v12 =	vsel vm4, v12, v56;
	vm4 =	vgt.s32 v58, v63;
	v53 =	vsel vm5, v46, v50  }
0x1e9: {  	v57 =	vld [tilespmem:s14+$0x1980];
	vm5 =	vgt.s32 v61, v42;
	v12 =	vsel vm4, v12, v59;
	vm4 =	vlt.s32 v48, v53  }
0x1ea: {  	v55 =	vld [tilespmem:s13+$0x2180];
	v12 =	vsel vm5, v12, v62;
	vm5 =	vgt.s32 v40, v45;
	v56 =	vsel vm4, v48, v53  }
0x1eb: {  	v60 =	vld [tilespmem:s15+$0x1980];
	vm4 =	vgt.s32 v43, v11;
	v11 =	vsel vm5, v12, v41;
	vm5 =	vlt.s32 v51, v56  }
0x1ec: {  	v58 =	vld [tilespmem:s14+$0x2180];
	v11 =	vsel vm4, v11, v44;
	vm4 =	vgt.s32 v46, v50;
	v59 =	vsel vm5, v51, v56  }
0x1ed: {  	v61 =	vld [tilespmem:s15+$0x2180];
	vm5 =	vgt.s32 v48, v53;
	v11 =	vsel vm4, v11, v47;
	vm4 =	vlt.s32 v54, v59  }
0x1ee: {  	v11 =	vsel vm5, v11, v49;
	vm5 =	vgt.s32 v51, v56;
	v62 =	vsel vm4, v54, v59  }
0x1ef: {  	vm4 =	vgt.s32 v54, v59;
	v11 =	vsel vm5, v11, v52;
	vm5 =	vlt.s32 v57, v62  }
0x1f0: {  	v11 =	vsel vm4, v11, v55;
	vm4 =	vgt.s32 v57, v62;
	v63 =	vsel vm5, v57, v62  }
0x1f1: {  	s26 =	sld [smem:$0x7E7];
	v11 =	vsel vm4, v11, v58;
	vm4 =	vgt.s32 v60, v63  }
0x1f2: {  	v11 =	vsel vm4, v11, v61  }
0x1f3: {  	s28 =	simm.s32 $0x2;
	[tilespmem:v10+s24+$0x0] =	vst.idx.msk $0xffff, v11  }
0x1f4: {  	[hbm4b:s26+s0] =	stream.linear.scatter [tilespmem:s24], [sflag:$0x2], $0x80, $0x38;
	[tilespmem:$0x3200] =	vst v63  }
0x1f5: {  	_ =	swait.ge [sflag:s28], $0x80  }
0x1f6: {  	s29 =	sld [smem:$0x7EC];
	_ =	sdelay $0x1  }
0x1f7: {  	s20 =	sadd.s32 $0x1, s20  }
0x1f8: {  	p2 =	sne.s32 s20, s29  }
.Ltmp5:
0x1f9: {  	_ = 	snop;
	(pc) =	sbr.rel @p2 .LBB2_1-.Ltmp5, $3  }
0x1fa: {  	_ =	sdelay $0x1  }
0x1fb: {  	[sflag:s28] =	ssyncset.done $0x0  }
0x1fc: {  	s24 =	simm.s32 $0x1080;
	[sflag:s28] =	ssyncadd.s32 $0xFFFFFF80  }
0x1fd: {  	_ =	sfence.sel $0x180000  }
0x1fe: {  	[bflag:$0x0] =	sbarrier.arrive $0xFFFF  }
0x1ff: {  	_ =	strace $0x90000047  }
0x200: {  	[bflag:$0x2] =	sbarrier.arrive $0xFFFF  }
0x201: {  	s0 =	rddreg [dreg:$0x5]  }
0x202: {  	s0 =	sadd.s32 @!p0 $0x100000, s0  }
0x203: {  	[sflag:s0] =	ssyncadd.tile.s32 @!p0 $0x1;
	_ =	shalt  }
.Lfunc_end2:
_tile_overlayer_lowered:
.L_overlay_start_2:
0x204: {  	(tag) =	ssettag $0x2  }
0x205: {  	s0 =	rddreg [dreg:$0x0];
	s2 =	stileid.u32  }
0x206: {  	s1 =	rddreg [dreg:$0x1];
	p0 =	sne.s32 s2, $0x0  }
0x207: {  	s3 =	rddreg [dreg:$0x2];
	[bflag:$0x3] =	sbarrier.arrive $0xFFFF;
	s2 =	simm.s32 @!p0 $0x1C02  }
0x208: {  	[timem:s3], [sflag:s2] =	dma.local @!p0 [hbm:s0], s1  }
0x209: {  	s0 =	simm.s32 @!p0 $0x2  }
0x20a: {  	_ =	swait.ge @!p0 [sflag:s0], s1  }
0x20b: {  	s1 =	ssub.s32 @!p0 $0x0, s1;
	[sflag:s0] =	ssyncset.done @!p0 $0x0  }
0x20c: {  	[sflag:s0] =	ssyncadd.s32 @!p0 s1  }
0x20d: {  	[bflag:$0x3] =	sbarrier.arrive $0xFFFF  }
0x20e: {  	_ =	shalt  }

</sc_bundles>
